<compile_context>
chip_gen: v7x
topology: tpu7x:2x2x1
jax: 0.10.2.dev20260603
libtpu: 0.0.44.dev20260713+nightly
codegen_flags: <defaults>
</compile_context>

<pallas_src>
import functools

import jax
import jax.numpy as jnp
import numpy as np
from jax import lax
from jax.experimental import pallas as pl
from jax.experimental.pallas import tpu as pltpu
from jax.experimental.pallas import tpu_sc as plsc

_TIMESTEPS = 300
_DIM = 128
_B = 16384

_INFO = plsc.get_sparse_core_info()
_NC, _NS = _INFO.num_cores, _INFO.num_subcores
_NW = _NC * _NS
_B_PER_W = _B // _NW
_CHUNK = 64
_NCHUNK = _B_PER_W // _CHUNK


def _build_table() -> np.ndarray:
    half = _DIM // 2
    b = (np.arange(_TIMESTEPS + 1, dtype=np.float32) / np.float32(10000.0))[:, None]
    e = (np.arange(half, dtype=np.float32) / np.float32(_DIM))[None, :]
    emb = (b ** e).astype(np.float32)
    emb = np.stack((np.sin(emb), np.cos(emb)), axis=-1).astype(np.float32)
    return emb.reshape(_TIMESTEPS + 1, _DIM)


_TABLE = _build_table()

_MESH = plsc.VectorSubcoreMesh(core_axis_name="c", subcore_axis_name="s")


@functools.partial(
    pl.kernel,
    out_type=jax.ShapeDtypeStruct((_B, _DIM), jnp.float32),
    mesh=_MESH,
    scratch_types=[
        pltpu.VMEM((_B_PER_W,), jnp.int32),
        pltpu.VMEM((_B_PER_W, _DIM), jnp.float32),
        pltpu.VMEM_SHARED((_TIMESTEPS + 1, _DIM), jnp.float32),
        pltpu.SemaphoreType.DMA,
        pltpu.SemaphoreType.DMA,
    ],
)
def _gather_kernel(table_hbm, t_hbm, out_hbm, idx_v, rows_v, tbl_s, gsem, ssem):
    sid = lax.axis_index("s")
    wid = sid * _NC + lax.axis_index("c")
    base = wid * _B_PER_W
    @pl.when(sid == 0)
    def _():
        pltpu.async_copy(table_hbm, tbl_s, gsem)

    pltpu.sync_copy(t_hbm.at[pl.ds(base, _B_PER_W)], idx_v)

    @pl.when(sid == 0)
    def _():
        pltpu.make_async_copy(table_hbm, tbl_s, gsem).wait()

    plsc.subcore_barrier()
    for j in range(_NCHUNK):
        pltpu.async_copy(
            tbl_s.at[idx_v.at[pl.ds(j * _CHUNK, _CHUNK)]],
            rows_v.at[pl.ds(j * _CHUNK, _CHUNK)],
            gsem,
        )
    for j in range(_NCHUNK):
        pltpu.make_async_copy(
            tbl_s.at[idx_v.at[pl.ds(j * _CHUNK, _CHUNK)]],
            rows_v.at[pl.ds(j * _CHUNK, _CHUNK)],
            gsem,
        ).wait()
        pltpu.async_copy(
            rows_v.at[pl.ds(j * _CHUNK, _CHUNK)],
            out_hbm.at[pl.ds(base + j * _CHUNK, _CHUNK)],
            ssem,
        )
    for j in range(_NCHUNK):
        pltpu.make_async_copy(
            rows_v.at[pl.ds(j * _CHUNK, _CHUNK)],
            out_hbm.at[pl.ds(base + j * _CHUNK, _CHUNK)],
            ssem,
        ).wait()


@jax.jit
def kernel(t):
    return _gather_kernel(jnp.asarray(_TABLE), t.astype(jnp.int32))

# --- scband reference (transcript-rebuilt; emitter-appended) ---
"""Pipeline reference for scband-positional-embeddings-7138235646492 (READ-ONLY COPY).

The authoritative reference and input builder live on the scoring server;
editing this copy changes nothing except your own understanding.
"""

import jax, jax.numpy as jnp
import numpy as np

TIMESTEPS = 300
DIM = 128


def setup_inputs(seed: int = 0) -> dict:
    key = jax.random.key(seed)
    t = jax.random.randint(key, (16384,), 0, 300, dtype=jnp.int64 if jax.config.jax_enable_x64 else jnp.int32)
    return {"t": t}


def reference(t) -> jnp.ndarray:
    dim = DIM
    half_dim = dim // 2
    # pos_len = min(t.max(), timesteps) only sized the table; rows are
    # index-local, so a table of the static maximum size TIMESTEPS + 1
    # gathers identically for every valid t.
    pos_len = TIMESTEPS
    b = (jnp.arange(pos_len + 1, dtype=jnp.float32) / 10000.0)[:, None]
    e = (jnp.arange(half_dim, dtype=jnp.float32) / dim)[None, :]
    embeddings = b ** e  # [pos_len+1, half_dim]
    embeddings = jnp.stack((jnp.sin(embeddings), jnp.cos(embeddings)), axis=-1)
    embeddings = embeddings.reshape(pos_len + 1, dim)
    # gather rows by timestep index
    return jnp.take(embeddings, t, axis=0)

if __name__ == "__main__":
    import jax
    _d = setup_inputs()
    print(jax.jit(kernel)(*tuple(_d.values())))

</pallas_src>

<mosaic_0001>
#map = affine_map<(d0, d1) -> (0, 0)>
#map1 = affine_map<(d0, d1) -> (0)>
module attributes {stable_mosaic.version = 14 : i64} {
  func.func @_gather_kernel(%arg0: i32, %arg1: i32, %arg2: memref<301x128xf32, #tpu.memory_space<hbm>>, %arg3: memref<16384xi32, #tpu.memory_space<hbm>>, %arg4: memref<16384x128xf32, #tpu.memory_space<hbm>>, %arg5: memref<512xi32, #tpu.memory_space<vmem>>, %arg6: memref<512x128xf32, #tpu.memory_space<vmem>>, %arg7: memref<301x128xf32, #tpu.memory_space<vmem_shared>>, %arg8: memref<!tpu.dma_semaphore, #tpu.memory_space<semaphore_mem>>, %arg9: memref<!tpu.dma_semaphore, #tpu.memory_space<semaphore_mem>>) attributes {dimension_semantics = [#tpu.dimension_semantics<core_parallel>, #tpu.dimension_semantics<subcore_parallel>], iteration_bounds = array<i64: 2, 16>, scalar_prefetch = 0 : i64, scratch_operands = 5 : i64, tpu.core_type = #tpu.core_type<sc_vector_subcore>, window_params = [{transform_indices = #map}, {transform_indices = #map1}, {transform_indices = #map}]} {
    %mul3A = arith.constant 2 : i32
    %mul3A_0 = arith.muli %arg1, %mul3A : i32
    %add3A = arith.addi %mul3A_0, %arg0 : i32
    %mul3A_1 = arith.constant 512 : i32
    %mul3A_2 = arith.muli %add3A, %mul3A_1 : i32
    %eq3A = arith.constant 0 : i32
    %eq3A_3 = arith.cmpi eq, %arg1, %eq3A : i32
    %convert_element_type3A = arith.extui %eq3A_3 : i1 to i32
    %cond3A = arith.constant 0 : i32
    %cond3A_4 = arith.cmpi ne, %convert_element_type3A, %cond3A : i32
    scf.if %cond3A_4 {
      tpu.enqueue_dma source(%arg2 : memref<301x128xf32, #tpu.memory_space<hbm>>) target(%arg7 : memref<301x128xf32, #tpu.memory_space<vmem_shared>>) target_semaphore(%arg8 : memref<!tpu.dma_semaphore, #tpu.memory_space<semaphore_mem>>)
    } else {
    }
    "tpu.region"() ({
      %run_scoped3A = tpu.sem_alloc : memref<!tpu.dma_semaphore, #tpu.memory_space<semaphore_mem>>
      %dma_start3A_328 = tpu.memref_slice %arg3[%mul3A_2] : memref<16384xi32, #tpu.memory_space<hbm>> -> memref<512xi32, #tpu.memory_space<hbm>>
      %dma_start3A_329 = tpu.memref_slice %arg3[%mul3A_2] : memref<16384xi32, #tpu.memory_space<hbm>> -> memref<512xi32, #tpu.memory_space<hbm>>
      tpu.enqueue_dma source(%dma_start3A_329 : memref<512xi32, #tpu.memory_space<hbm>>) target(%arg5 : memref<512xi32, #tpu.memory_space<vmem>>) target_semaphore(%run_scoped3A : memref<!tpu.dma_semaphore, #tpu.memory_space<semaphore_mem>>)
      %dma_wait3A_330 = tpu.memref_slice %arg3[%mul3A_2] : memref<16384xi32, #tpu.memory_space<hbm>> -> memref<512xi32, #tpu.memory_space<hbm>>
      %dma_wait3A_331 = tpu.memref_slice %arg3[%mul3A_2] : memref<16384xi32, #tpu.memory_space<hbm>> -> memref<512xi32, #tpu.memory_space<hbm>>
      tpu.wait_dma2 semaphore(%run_scoped3A : memref<!tpu.dma_semaphore, #tpu.memory_space<semaphore_mem>>) src(%dma_wait3A_331 : memref<512xi32, #tpu.memory_space<hbm>>) dst(%arg5 : memref<512xi32, #tpu.memory_space<vmem>>)
      tpu.yield
    }) : () -> ()
    %eq3A_5 = arith.constant 0 : i32
    %eq3A_6 = arith.cmpi eq, %arg1, %eq3A_5 : i32
    %convert_element_type3A_7 = arith.extui %eq3A_6 : i1 to i32
    %cond3A_8 = arith.constant 0 : i32
    %cond3A_9 = arith.cmpi ne, %convert_element_type3A_7, %cond3A_8 : i32
    scf.if %cond3A_9 {
      tpu.wait_dma2 semaphore(%arg8 : memref<!tpu.dma_semaphore, #tpu.memory_space<semaphore_mem>>) src(%arg2 : memref<301x128xf32, #tpu.memory_space<hbm>>) dst(%arg7 : memref<301x128xf32, #tpu.memory_space<vmem_shared>>)
    } else {
    }
    %barrier3A = arith.constant 0 : index
    tpu.barrier barrier_id(%barrier3A)
    %dma_start3A = arith.constant 0 : i32
    %dma_start3A_10 = arith.constant 0 : i32
    %dma_start3A_11 = tpu.memref_slice %arg6[%dma_start3A, %dma_start3A_10] : memref<512x128xf32, #tpu.memory_space<vmem>> -> memref<64x128xf32, #tpu.memory_space<vmem>>
    %dma_start3A_12 = arith.constant 0 : i32
    %dma_start3A_13 = tpu.memref_slice %arg5[%dma_start3A_12] : memref<512xi32, #tpu.memory_space<vmem>> -> memref<64xi32, #tpu.memory_space<vmem>>
    %dma_start3A_14 = arith.constant 0 : i32
    %dma_start3A_15 = arith.constant 0 : i32
    %dma_start3A_16 = tpu.memref_slice %arg7[%dma_start3A_14, %dma_start3A_15] : memref<301x128xf32, #tpu.memory_space<vmem_shared>> -> memref<301x128xf32, #tpu.memory_space<vmem_shared>>
    tpu.enqueue_indirect_dma source(%dma_start3A_16 : memref<301x128xf32, #tpu.memory_space<vmem_shared>>) target(%dma_start3A_11 : memref<64x128xf32, #tpu.memory_space<vmem>>) offsets(%dma_start3A_13 : memref<64xi32, #tpu.memory_space<vmem>>) semaphore(%arg8 : memref<!tpu.dma_semaphore, #tpu.memory_space<semaphore_mem>>)
    %dma_start3A_17 = arith.constant 64 : i32
    %dma_start3A_18 = arith.constant 0 : i32
    %dma_start3A_19 = tpu.memref_slice %arg6[%dma_start3A_17, %dma_start3A_18] : memref<512x128xf32, #tpu.memory_space<vmem>> -> memref<64x128xf32, #tpu.memory_space<vmem>>
    %dma_start3A_20 = arith.constant 64 : i32
    %dma_start3A_21 = tpu.memref_slice %arg5[%dma_start3A_20] : memref<512xi32, #tpu.memory_space<vmem>> -> memref<64xi32, #tpu.memory_space<vmem>>
    %dma_start3A_22 = arith.constant 0 : i32
    %dma_start3A_23 = arith.constant 0 : i32
    %dma_start3A_24 = tpu.memref_slice %arg7[%dma_start3A_22, %dma_start3A_23] : memref<301x128xf32, #tpu.memory_space<vmem_shared>> -> memref<301x128xf32, #tpu.memory_space<vmem_shared>>
    tpu.enqueue_indirect_dma source(%dma_start3A_24 : memref<301x128xf32, #tpu.memory_space<vmem_shared>>) target(%dma_start3A_19 : memref<64x128xf32, #tpu.memory_space<vmem>>) offsets(%dma_start3A_21 : memref<64xi32, #tpu.memory_space<vmem>>) semaphore(%arg8 : memref<!tpu.dma_semaphore, #tpu.memory_space<semaphore_mem>>)
    %dma_start3A_25 = arith.constant 128 : i32
    %dma_start3A_26 = arith.constant 0 : i32
    %dma_start3A_27 = tpu.memref_slice %arg6[%dma_start3A_25, %dma_start3A_26] : memref<512x128xf32, #tpu.memory_space<vmem>> -> memref<64x128xf32, #tpu.memory_space<vmem>>
    %dma_start3A_28 = arith.constant 128 : i32
    %dma_start3A_29 = tpu.memref_slice %arg5[%dma_start3A_28] : memref<512xi32, #tpu.memory_space<vmem>> -> memref<64xi32, #tpu.memory_space<vmem>>
    %dma_start3A_30 = arith.constant 0 : i32
    %dma_start3A_31 = arith.constant 0 : i32
    %dma_start3A_32 = tpu.memref_slice %arg7[%dma_start3A_30, %dma_start3A_31] : memref<301x128xf32, #tpu.memory_space<vmem_shared>> -> memref<301x128xf32, #tpu.memory_space<vmem_shared>>
    tpu.enqueue_indirect_dma source(%dma_start3A_32 : memref<301x128xf32, #tpu.memory_space<vmem_shared>>) target(%dma_start3A_27 : memref<64x128xf32, #tpu.memory_space<vmem>>) offsets(%dma_start3A_29 : memref<64xi32, #tpu.memory_space<vmem>>) semaphore(%arg8 : memref<!tpu.dma_semaphore, #tpu.memory_space<semaphore_mem>>)
    %dma_start3A_33 = arith.constant 192 : i32
    %dma_start3A_34 = arith.constant 0 : i32
    %dma_start3A_35 = tpu.memref_slice %arg6[%dma_start3A_33, %dma_start3A_34] : memref<512x128xf32, #tpu.memory_space<vmem>> -> memref<64x128xf32, #tpu.memory_space<vmem>>
    %dma_start3A_36 = arith.constant 192 : i32
    %dma_start3A_37 = tpu.memref_slice %arg5[%dma_start3A_36] : memref<512xi32, #tpu.memory_space<vmem>> -> memref<64xi32, #tpu.memory_space<vmem>>
    %dma_start3A_38 = arith.constant 0 : i32
    %dma_start3A_39 = arith.constant 0 : i32
    %dma_start3A_40 = tpu.memref_slice %arg7[%dma_start3A_38, %dma_start3A_39] : memref<301x128xf32, #tpu.memory_space<vmem_shared>> -> memref<301x128xf32, #tpu.memory_space<vmem_shared>>
    tpu.enqueue_indirect_dma source(%dma_start3A_40 : memref<301x128xf32, #tpu.memory_space<vmem_shared>>) target(%dma_start3A_35 : memref<64x128xf32, #tpu.memory_space<vmem>>) offsets(%dma_start3A_37 : memref<64xi32, #tpu.memory_space<vmem>>) semaphore(%arg8 : memref<!tpu.dma_semaphore, #tpu.memory_space<semaphore_mem>>)
    %dma_start3A_41 = arith.constant 256 : i32
    %dma_start3A_42 = arith.constant 0 : i32
    %dma_start3A_43 = tpu.memref_slice %arg6[%dma_start3A_41, %dma_start3A_42] : memref<512x128xf32, #tpu.memory_space<vmem>> -> memref<64x128xf32, #tpu.memory_space<vmem>>
    %dma_start3A_44 = arith.constant 256 : i32
    %dma_start3A_45 = tpu.memref_slice %arg5[%dma_start3A_44] : memref<512xi32, #tpu.memory_space<vmem>> -> memref<64xi32, #tpu.memory_space<vmem>>
    %dma_start3A_46 = arith.constant 0 : i32
    %dma_start3A_47 = arith.constant 0 : i32
    %dma_start3A_48 = tpu.memref_slice %arg7[%dma_start3A_46, %dma_start3A_47] : memref<301x128xf32, #tpu.memory_space<vmem_shared>> -> memref<301x128xf32, #tpu.memory_space<vmem_shared>>
    tpu.enqueue_indirect_dma source(%dma_start3A_48 : memref<301x128xf32, #tpu.memory_space<vmem_shared>>) target(%dma_start3A_43 : memref<64x128xf32, #tpu.memory_space<vmem>>) offsets(%dma_start3A_45 : memref<64xi32, #tpu.memory_space<vmem>>) semaphore(%arg8 : memref<!tpu.dma_semaphore, #tpu.memory_space<semaphore_mem>>)
    %dma_start3A_49 = arith.constant 320 : i32
    %dma_start3A_50 = arith.constant 0 : i32
    %dma_start3A_51 = tpu.memref_slice %arg6[%dma_start3A_49, %dma_start3A_50] : memref<512x128xf32, #tpu.memory_space<vmem>> -> memref<64x128xf32, #tpu.memory_space<vmem>>
    %dma_start3A_52 = arith.constant 320 : i32
    %dma_start3A_53 = tpu.memref_slice %arg5[%dma_start3A_52] : memref<512xi32, #tpu.memory_space<vmem>> -> memref<64xi32, #tpu.memory_space<vmem>>
    %dma_start3A_54 = arith.constant 0 : i32
    %dma_start3A_55 = arith.constant 0 : i32
    %dma_start3A_56 = tpu.memref_slice %arg7[%dma_start3A_54, %dma_start3A_55] : memref<301x128xf32, #tpu.memory_space<vmem_shared>> -> memref<301x128xf32, #tpu.memory_space<vmem_shared>>
    tpu.enqueue_indirect_dma source(%dma_start3A_56 : memref<301x128xf32, #tpu.memory_space<vmem_shared>>) target(%dma_start3A_51 : memref<64x128xf32, #tpu.memory_space<vmem>>) offsets(%dma_start3A_53 : memref<64xi32, #tpu.memory_space<vmem>>) semaphore(%arg8 : memref<!tpu.dma_semaphore, #tpu.memory_space<semaphore_mem>>)
    %dma_start3A_57 = arith.constant 384 : i32
    %dma_start3A_58 = arith.constant 0 : i32
    %dma_start3A_59 = tpu.memref_slice %arg6[%dma_start3A_57, %dma_start3A_58] : memref<512x128xf32, #tpu.memory_space<vmem>> -> memref<64x128xf32, #tpu.memory_space<vmem>>
    %dma_start3A_60 = arith.constant 384 : i32
    %dma_start3A_61 = tpu.memref_slice %arg5[%dma_start3A_60] : memref<512xi32, #tpu.memory_space<vmem>> -> memref<64xi32, #tpu.memory_space<vmem>>
    %dma_start3A_62 = arith.constant 0 : i32
    %dma_start3A_63 = arith.constant 0 : i32
    %dma_start3A_64 = tpu.memref_slice %arg7[%dma_start3A_62, %dma_start3A_63] : memref<301x128xf32, #tpu.memory_space<vmem_shared>> -> memref<301x128xf32, #tpu.memory_space<vmem_shared>>
    tpu.enqueue_indirect_dma source(%dma_start3A_64 : memref<301x128xf32, #tpu.memory_space<vmem_shared>>) target(%dma_start3A_59 : memref<64x128xf32, #tpu.memory_space<vmem>>) offsets(%dma_start3A_61 : memref<64xi32, #tpu.memory_space<vmem>>) semaphore(%arg8 : memref<!tpu.dma_semaphore, #tpu.memory_space<semaphore_mem>>)
    %dma_start3A_65 = arith.constant 448 : i32
    %dma_start3A_66 = arith.constant 0 : i32
    %dma_start3A_67 = tpu.memref_slice %arg6[%dma_start3A_65, %dma_start3A_66] : memref<512x128xf32, #tpu.memory_space<vmem>> -> memref<64x128xf32, #tpu.memory_space<vmem>>
    %dma_start3A_68 = arith.constant 448 : i32
    %dma_start3A_69 = tpu.memref_slice %arg5[%dma_start3A_68] : memref<512xi32, #tpu.memory_space<vmem>> -> memref<64xi32, #tpu.memory_space<vmem>>
    %dma_start3A_70 = arith.constant 0 : i32
    %dma_start3A_71 = arith.constant 0 : i32
    %dma_start3A_72 = tpu.memref_slice %arg7[%dma_start3A_70, %dma_start3A_71] : memref<301x128xf32, #tpu.memory_space<vmem_shared>> -> memref<301x128xf32, #tpu.memory_space<vmem_shared>>
    tpu.enqueue_indirect_dma source(%dma_start3A_72 : memref<301x128xf32, #tpu.memory_space<vmem_shared>>) target(%dma_start3A_67 : memref<64x128xf32, #tpu.memory_space<vmem>>) offsets(%dma_start3A_69 : memref<64xi32, #tpu.memory_space<vmem>>) semaphore(%arg8 : memref<!tpu.dma_semaphore, #tpu.memory_space<semaphore_mem>>)
    %dma_wait3A = arith.constant 0 : i32
    %dma_wait3A_73 = arith.constant 0 : i32
    %dma_wait3A_74 = tpu.memref_slice %arg6[%dma_wait3A, %dma_wait3A_73] : memref<512x128xf32, #tpu.memory_space<vmem>> -> memref<64x128xf32, #tpu.memory_space<vmem>>
    %dma_wait3A_75 = arith.constant 0 : i32
    %dma_wait3A_76 = tpu.memref_slice %arg5[%dma_wait3A_75] : memref<512xi32, #tpu.memory_space<vmem>> -> memref<64xi32, #tpu.memory_space<vmem>>
    %dma_wait3A_77 = arith.constant 0 : i32
    %dma_wait3A_78 = arith.constant 0 : i32
    %dma_wait3A_79 = tpu.memref_slice %arg7[%dma_wait3A_77, %dma_wait3A_78] : memref<301x128xf32, #tpu.memory_space<vmem_shared>> -> memref<301x128xf32, #tpu.memory_space<vmem_shared>>
    tpu.wait_indirect_dma semaphore(%arg8 : memref<!tpu.dma_semaphore, #tpu.memory_space<semaphore_mem>>) src(%dma_wait3A_79 : memref<301x128xf32, #tpu.memory_space<vmem_shared>>) dst(%dma_wait3A_74 : memref<64x128xf32, #tpu.memory_space<vmem>>)
    %add3A_80 = arith.constant 0 : i32
    %add3A_81 = arith.addi %mul3A_2, %add3A_80 : i32
    %dma_start3A_82 = arith.constant 0 : i32
    %dma_start3A_83 = arith.constant 0 : i32
    %dma_start3A_84 = tpu.memref_slice %arg6[%dma_start3A_82, %dma_start3A_83] : memref<512x128xf32, #tpu.memory_space<vmem>> -> memref<64x128xf32, #tpu.memory_space<vmem>>
    %dma_start3A_85 = arith.constant 0 : i32
    %dma_start3A_86 = tpu.memref_slice %arg4[%add3A_81, %dma_start3A_85] : memref<16384x128xf32, #tpu.memory_space<hbm>> -> memref<64x128xf32, #tpu.memory_space<hbm>>
    %dma_start3A_87 = arith.constant 0 : i32
    %dma_start3A_88 = tpu.memref_slice %arg4[%add3A_81, %dma_start3A_87] : memref<16384x128xf32, #tpu.memory_space<hbm>> -> memref<64x128xf32, #tpu.memory_space<hbm>>
    %dma_start3A_89 = arith.constant 0 : i32
    %dma_start3A_90 = arith.constant 0 : i32
    %dma_start3A_91 = tpu.memref_slice %arg6[%dma_start3A_89, %dma_start3A_90] : memref<512x128xf32, #tpu.memory_space<vmem>> -> memref<64x128xf32, #tpu.memory_space<vmem>>
    tpu.enqueue_dma source(%dma_start3A_91 : memref<64x128xf32, #tpu.memory_space<vmem>>) target(%dma_start3A_88 : memref<64x128xf32, #tpu.memory_space<hbm>>) target_semaphore(%arg9 : memref<!tpu.dma_semaphore, #tpu.memory_space<semaphore_mem>>)
    %dma_wait3A_92 = arith.constant 64 : i32
    %dma_wait3A_93 = arith.constant 0 : i32
    %dma_wait3A_94 = tpu.memref_slice %arg6[%dma_wait3A_92, %dma_wait3A_93] : memref<512x128xf32, #tpu.memory_space<vmem>> -> memref<64x128xf32, #tpu.memory_space<vmem>>
    %dma_wait3A_95 = arith.constant 64 : i32
    %dma_wait3A_96 = tpu.memref_slice %arg5[%dma_wait3A_95] : memref<512xi32, #tpu.memory_space<vmem>> -> memref<64xi32, #tpu.memory_space<vmem>>
    %dma_wait3A_97 = arith.constant 0 : i32
    %dma_wait3A_98 = arith.constant 0 : i32
    %dma_wait3A_99 = tpu.memref_slice %arg7[%dma_wait3A_97, %dma_wait3A_98] : memref<301x128xf32, #tpu.memory_space<vmem_shared>> -> memref<301x128xf32, #tpu.memory_space<vmem_shared>>
    tpu.wait_indirect_dma semaphore(%arg8 : memref<!tpu.dma_semaphore, #tpu.memory_space<semaphore_mem>>) src(%dma_wait3A_99 : memref<301x128xf32, #tpu.memory_space<vmem_shared>>) dst(%dma_wait3A_94 : memref<64x128xf32, #tpu.memory_space<vmem>>)
    %add3A_100 = arith.constant 64 : i32
    %add3A_101 = arith.addi %mul3A_2, %add3A_100 : i32
    %dma_start3A_102 = arith.constant 64 : i32
    %dma_start3A_103 = arith.constant 0 : i32
    %dma_start3A_104 = tpu.memref_slice %arg6[%dma_start3A_102, %dma_start3A_103] : memref<512x128xf32, #tpu.memory_space<vmem>> -> memref<64x128xf32, #tpu.memory_space<vmem>>
    %dma_start3A_105 = arith.constant 0 : i32
    %dma_start3A_106 = tpu.memref_slice %arg4[%add3A_101, %dma_start3A_105] : memref<16384x128xf32, #tpu.memory_space<hbm>> -> memref<64x128xf32, #tpu.memory_space<hbm>>
    %dma_start3A_107 = arith.constant 0 : i32
    %dma_start3A_108 = tpu.memref_slice %arg4[%add3A_101, %dma_start3A_107] : memref<16384x128xf32, #tpu.memory_space<hbm>> -> memref<64x128xf32, #tpu.memory_space<hbm>>
    %dma_start3A_109 = arith.constant 64 : i32
    %dma_start3A_110 = arith.constant 0 : i32
    %dma_start3A_111 = tpu.memref_slice %arg6[%dma_start3A_109, %dma_start3A_110] : memref<512x128xf32, #tpu.memory_space<vmem>> -> memref<64x128xf32, #tpu.memory_space<vmem>>
    tpu.enqueue_dma source(%dma_start3A_111 : memref<64x128xf32, #tpu.memory_space<vmem>>) target(%dma_start3A_108 : memref<64x128xf32, #tpu.memory_space<hbm>>) target_semaphore(%arg9 : memref<!tpu.dma_semaphore, #tpu.memory_space<semaphore_mem>>)
    %dma_wait3A_112 = arith.constant 128 : i32
    %dma_wait3A_113 = arith.constant 0 : i32
    %dma_wait3A_114 = tpu.memref_slice %arg6[%dma_wait3A_112, %dma_wait3A_113] : memref<512x128xf32, #tpu.memory_space<vmem>> -> memref<64x128xf32, #tpu.memory_space<vmem>>
    %dma_wait3A_115 = arith.constant 128 : i32
    %dma_wait3A_116 = tpu.memref_slice %arg5[%dma_wait3A_115] : memref<512xi32, #tpu.memory_space<vmem>> -> memref<64xi32, #tpu.memory_space<vmem>>
    %dma_wait3A_117 = arith.constant 0 : i32
    %dma_wait3A_118 = arith.constant 0 : i32
    %dma_wait3A_119 = tpu.memref_slice %arg7[%dma_wait3A_117, %dma_wait3A_118] : memref<301x128xf32, #tpu.memory_space<vmem_shared>> -> memref<301x128xf32, #tpu.memory_space<vmem_shared>>
    tpu.wait_indirect_dma semaphore(%arg8 : memref<!tpu.dma_semaphore, #tpu.memory_space<semaphore_mem>>) src(%dma_wait3A_119 : memref<301x128xf32, #tpu.memory_space<vmem_shared>>) dst(%dma_wait3A_114 : memref<64x128xf32, #tpu.memory_space<vmem>>)
    %add3A_120 = arith.constant 128 : i32
    %add3A_121 = arith.addi %mul3A_2, %add3A_120 : i32
    %dma_start3A_122 = arith.constant 128 : i32
    %dma_start3A_123 = arith.constant 0 : i32
    %dma_start3A_124 = tpu.memref_slice %arg6[%dma_start3A_122, %dma_start3A_123] : memref<512x128xf32, #tpu.memory_space<vmem>> -> memref<64x128xf32, #tpu.memory_space<vmem>>
    %dma_start3A_125 = arith.constant 0 : i32
    %dma_start3A_126 = tpu.memref_slice %arg4[%add3A_121, %dma_start3A_125] : memref<16384x128xf32, #tpu.memory_space<hbm>> -> memref<64x128xf32, #tpu.memory_space<hbm>>
    %dma_start3A_127 = arith.constant 0 : i32
    %dma_start3A_128 = tpu.memref_slice %arg4[%add3A_121, %dma_start3A_127] : memref<16384x128xf32, #tpu.memory_space<hbm>> -> memref<64x128xf32, #tpu.memory_space<hbm>>
    %dma_start3A_129 = arith.constant 128 : i32
    %dma_start3A_130 = arith.constant 0 : i32
    %dma_start3A_131 = tpu.memref_slice %arg6[%dma_start3A_129, %dma_start3A_130] : memref<512x128xf32, #tpu.memory_space<vmem>> -> memref<64x128xf32, #tpu.memory_space<vmem>>
    tpu.enqueue_dma source(%dma_start3A_131 : memref<64x128xf32, #tpu.memory_space<vmem>>) target(%dma_start3A_128 : memref<64x128xf32, #tpu.memory_space<hbm>>) target_semaphore(%arg9 : memref<!tpu.dma_semaphore, #tpu.memory_space<semaphore_mem>>)
    %dma_wait3A_132 = arith.constant 192 : i32
    %dma_wait3A_133 = arith.constant 0 : i32
    %dma_wait3A_134 = tpu.memref_slice %arg6[%dma_wait3A_132, %dma_wait3A_133] : memref<512x128xf32, #tpu.memory_space<vmem>> -> memref<64x128xf32, #tpu.memory_space<vmem>>
    %dma_wait3A_135 = arith.constant 192 : i32
    %dma_wait3A_136 = tpu.memref_slice %arg5[%dma_wait3A_135] : memref<512xi32, #tpu.memory_space<vmem>> -> memref<64xi32, #tpu.memory_space<vmem>>
    %dma_wait3A_137 = arith.constant 0 : i32
    %dma_wait3A_138 = arith.constant 0 : i32
    %dma_wait3A_139 = tpu.memref_slice %arg7[%dma_wait3A_137, %dma_wait3A_138] : memref<301x128xf32, #tpu.memory_space<vmem_shared>> -> memref<301x128xf32, #tpu.memory_space<vmem_shared>>
    tpu.wait_indirect_dma semaphore(%arg8 : memref<!tpu.dma_semaphore, #tpu.memory_space<semaphore_mem>>) src(%dma_wait3A_139 : memref<301x128xf32, #tpu.memory_space<vmem_shared>>) dst(%dma_wait3A_134 : memref<64x128xf32, #tpu.memory_space<vmem>>)
    %add3A_140 = arith.constant 192 : i32
    %add3A_141 = arith.addi %mul3A_2, %add3A_140 : i32
    %dma_start3A_142 = arith.constant 192 : i32
    %dma_start3A_143 = arith.constant 0 : i32
    %dma_start3A_144 = tpu.memref_slice %arg6[%dma_start3A_142, %dma_start3A_143] : memref<512x128xf32, #tpu.memory_space<vmem>> -> memref<64x128xf32, #tpu.memory_space<vmem>>
    %dma_start3A_145 = arith.constant 0 : i32
    %dma_start3A_146 = tpu.memref_slice %arg4[%add3A_141, %dma_start3A_145] : memref<16384x128xf32, #tpu.memory_space<hbm>> -> memref<64x128xf32, #tpu.memory_space<hbm>>
    %dma_start3A_147 = arith.constant 0 : i32
    %dma_start3A_148 = tpu.memref_slice %arg4[%add3A_141, %dma_start3A_147] : memref<16384x128xf32, #tpu.memory_space<hbm>> -> memref<64x128xf32, #tpu.memory_space<hbm>>
    %dma_start3A_149 = arith.constant 192 : i32
    %dma_start3A_150 = arith.constant 0 : i32
    %dma_start3A_151 = tpu.memref_slice %arg6[%dma_start3A_149, %dma_start3A_150] : memref<512x128xf32, #tpu.memory_space<vmem>> -> memref<64x128xf32, #tpu.memory_space<vmem>>
    tpu.enqueue_dma source(%dma_start3A_151 : memref<64x128xf32, #tpu.memory_space<vmem>>) target(%dma_start3A_148 : memref<64x128xf32, #tpu.memory_space<hbm>>) target_semaphore(%arg9 : memref<!tpu.dma_semaphore, #tpu.memory_space<semaphore_mem>>)
    %dma_wait3A_152 = arith.constant 256 : i32
    %dma_wait3A_153 = arith.constant 0 : i32
    %dma_wait3A_154 = tpu.memref_slice %arg6[%dma_wait3A_152, %dma_wait3A_153] : memref<512x128xf32, #tpu.memory_space<vmem>> -> memref<64x128xf32, #tpu.memory_space<vmem>>
    %dma_wait3A_155 = arith.constant 256 : i32
    %dma_wait3A_156 = tpu.memref_slice %arg5[%dma_wait3A_155] : memref<512xi32, #tpu.memory_space<vmem>> -> memref<64xi32, #tpu.memory_space<vmem>>
    %dma_wait3A_157 = arith.constant 0 : i32
    %dma_wait3A_158 = arith.constant 0 : i32
    %dma_wait3A_159 = tpu.memref_slice %arg7[%dma_wait3A_157, %dma_wait3A_158] : memref<301x128xf32, #tpu.memory_space<vmem_shared>> -> memref<301x128xf32, #tpu.memory_space<vmem_shared>>
    tpu.wait_indirect_dma semaphore(%arg8 : memref<!tpu.dma_semaphore, #tpu.memory_space<semaphore_mem>>) src(%dma_wait3A_159 : memref<301x128xf32, #tpu.memory_space<vmem_shared>>) dst(%dma_wait3A_154 : memref<64x128xf32, #tpu.memory_space<vmem>>)
    %add3A_160 = arith.constant 256 : i32
    %add3A_161 = arith.addi %mul3A_2, %add3A_160 : i32
    %dma_start3A_162 = arith.constant 256 : i32
    %dma_start3A_163 = arith.constant 0 : i32
    %dma_start3A_164 = tpu.memref_slice %arg6[%dma_start3A_162, %dma_start3A_163] : memref<512x128xf32, #tpu.memory_space<vmem>> -> memref<64x128xf32, #tpu.memory_space<vmem>>
    %dma_start3A_165 = arith.constant 0 : i32
    %dma_start3A_166 = tpu.memref_slice %arg4[%add3A_161, %dma_start3A_165] : memref<16384x128xf32, #tpu.memory_space<hbm>> -> memref<64x128xf32, #tpu.memory_space<hbm>>
    %dma_start3A_167 = arith.constant 0 : i32
    %dma_start3A_168 = tpu.memref_slice %arg4[%add3A_161, %dma_start3A_167] : memref<16384x128xf32, #tpu.memory_space<hbm>> -> memref<64x128xf32, #tpu.memory_space<hbm>>
    %dma_start3A_169 = arith.constant 256 : i32
    %dma_start3A_170 = arith.constant 0 : i32
    %dma_start3A_171 = tpu.memref_slice %arg6[%dma_start3A_169, %dma_start3A_170] : memref<512x128xf32, #tpu.memory_space<vmem>> -> memref<64x128xf32, #tpu.memory_space<vmem>>
    tpu.enqueue_dma source(%dma_start3A_171 : memref<64x128xf32, #tpu.memory_space<vmem>>) target(%dma_start3A_168 : memref<64x128xf32, #tpu.memory_space<hbm>>) target_semaphore(%arg9 : memref<!tpu.dma_semaphore, #tpu.memory_space<semaphore_mem>>)
    %dma_wait3A_172 = arith.constant 320 : i32
    %dma_wait3A_173 = arith.constant 0 : i32
    %dma_wait3A_174 = tpu.memref_slice %arg6[%dma_wait3A_172, %dma_wait3A_173] : memref<512x128xf32, #tpu.memory_space<vmem>> -> memref<64x128xf32, #tpu.memory_space<vmem>>
    %dma_wait3A_175 = arith.constant 320 : i32
    %dma_wait3A_176 = tpu.memref_slice %arg5[%dma_wait3A_175] : memref<512xi32, #tpu.memory_space<vmem>> -> memref<64xi32, #tpu.memory_space<vmem>>
    %dma_wait3A_177 = arith.constant 0 : i32
    %dma_wait3A_178 = arith.constant 0 : i32
    %dma_wait3A_179 = tpu.memref_slice %arg7[%dma_wait3A_177, %dma_wait3A_178] : memref<301x128xf32, #tpu.memory_space<vmem_shared>> -> memref<301x128xf32, #tpu.memory_space<vmem_shared>>
    tpu.wait_indirect_dma semaphore(%arg8 : memref<!tpu.dma_semaphore, #tpu.memory_space<semaphore_mem>>) src(%dma_wait3A_179 : memref<301x128xf32, #tpu.memory_space<vmem_shared>>) dst(%dma_wait3A_174 : memref<64x128xf32, #tpu.memory_space<vmem>>)
    %add3A_180 = arith.constant 320 : i32
    %add3A_181 = arith.addi %mul3A_2, %add3A_180 : i32
    %dma_start3A_182 = arith.constant 320 : i32
    %dma_start3A_183 = arith.constant 0 : i32
    %dma_start3A_184 = tpu.memref_slice %arg6[%dma_start3A_182, %dma_start3A_183] : memref<512x128xf32, #tpu.memory_space<vmem>> -> memref<64x128xf32, #tpu.memory_space<vmem>>
    %dma_start3A_185 = arith.constant 0 : i32
    %dma_start3A_186 = tpu.memref_slice %arg4[%add3A_181, %dma_start3A_185] : memref<16384x128xf32, #tpu.memory_space<hbm>> -> memref<64x128xf32, #tpu.memory_space<hbm>>
    %dma_start3A_187 = arith.constant 0 : i32
    %dma_start3A_188 = tpu.memref_slice %arg4[%add3A_181, %dma_start3A_187] : memref<16384x128xf32, #tpu.memory_space<hbm>> -> memref<64x128xf32, #tpu.memory_space<hbm>>
    %dma_start3A_189 = arith.constant 320 : i32
    %dma_start3A_190 = arith.constant 0 : i32
    %dma_start3A_191 = tpu.memref_slice %arg6[%dma_start3A_189, %dma_start3A_190] : memref<512x128xf32, #tpu.memory_space<vmem>> -> memref<64x128xf32, #tpu.memory_space<vmem>>
    tpu.enqueue_dma source(%dma_start3A_191 : memref<64x128xf32, #tpu.memory_space<vmem>>) target(%dma_start3A_188 : memref<64x128xf32, #tpu.memory_space<hbm>>) target_semaphore(%arg9 : memref<!tpu.dma_semaphore, #tpu.memory_space<semaphore_mem>>)
    %dma_wait3A_192 = arith.constant 384 : i32
    %dma_wait3A_193 = arith.constant 0 : i32
    %dma_wait3A_194 = tpu.memref_slice %arg6[%dma_wait3A_192, %dma_wait3A_193] : memref<512x128xf32, #tpu.memory_space<vmem>> -> memref<64x128xf32, #tpu.memory_space<vmem>>
    %dma_wait3A_195 = arith.constant 384 : i32
    %dma_wait3A_196 = tpu.memref_slice %arg5[%dma_wait3A_195] : memref<512xi32, #tpu.memory_space<vmem>> -> memref<64xi32, #tpu.memory_space<vmem>>
    %dma_wait3A_197 = arith.constant 0 : i32
    %dma_wait3A_198 = arith.constant 0 : i32
    %dma_wait3A_199 = tpu.memref_slice %arg7[%dma_wait3A_197, %dma_wait3A_198] : memref<301x128xf32, #tpu.memory_space<vmem_shared>> -> memref<301x128xf32, #tpu.memory_space<vmem_shared>>
    tpu.wait_indirect_dma semaphore(%arg8 : memref<!tpu.dma_semaphore, #tpu.memory_space<semaphore_mem>>) src(%dma_wait3A_199 : memref<301x128xf32, #tpu.memory_space<vmem_shared>>) dst(%dma_wait3A_194 : memref<64x128xf32, #tpu.memory_space<vmem>>)
    %add3A_200 = arith.constant 384 : i32
    %add3A_201 = arith.addi %mul3A_2, %add3A_200 : i32
    %dma_start3A_202 = arith.constant 384 : i32
    %dma_start3A_203 = arith.constant 0 : i32
    %dma_start3A_204 = tpu.memref_slice %arg6[%dma_start3A_202, %dma_start3A_203] : memref<512x128xf32, #tpu.memory_space<vmem>> -> memref<64x128xf32, #tpu.memory_space<vmem>>
    %dma_start3A_205 = arith.constant 0 : i32
    %dma_start3A_206 = tpu.memref_slice %arg4[%add3A_201, %dma_start3A_205] : memref<16384x128xf32, #tpu.memory_space<hbm>> -> memref<64x128xf32, #tpu.memory_space<hbm>>
    %dma_start3A_207 = arith.constant 0 : i32
    %dma_start3A_208 = tpu.memref_slice %arg4[%add3A_201, %dma_start3A_207] : memref<16384x128xf32, #tpu.memory_space<hbm>> -> memref<64x128xf32, #tpu.memory_space<hbm>>
    %dma_start3A_209 = arith.constant 384 : i32
    %dma_start3A_210 = arith.constant 0 : i32
    %dma_start3A_211 = tpu.memref_slice %arg6[%dma_start3A_209, %dma_start3A_210] : memref<512x128xf32, #tpu.memory_space<vmem>> -> memref<64x128xf32, #tpu.memory_space<vmem>>
    tpu.enqueue_dma source(%dma_start3A_211 : memref<64x128xf32, #tpu.memory_space<vmem>>) target(%dma_start3A_208 : memref<64x128xf32, #tpu.memory_space<hbm>>) target_semaphore(%arg9 : memref<!tpu.dma_semaphore, #tpu.memory_space<semaphore_mem>>)
    %dma_wait3A_212 = arith.constant 448 : i32
    %dma_wait3A_213 = arith.constant 0 : i32
    %dma_wait3A_214 = tpu.memref_slice %arg6[%dma_wait3A_212, %dma_wait3A_213] : memref<512x128xf32, #tpu.memory_space<vmem>> -> memref<64x128xf32, #tpu.memory_space<vmem>>
    %dma_wait3A_215 = arith.constant 448 : i32
    %dma_wait3A_216 = tpu.memref_slice %arg5[%dma_wait3A_215] : memref<512xi32, #tpu.memory_space<vmem>> -> memref<64xi32, #tpu.memory_space<vmem>>
    %dma_wait3A_217 = arith.constant 0 : i32
    %dma_wait3A_218 = arith.constant 0 : i32
    %dma_wait3A_219 = tpu.memref_slice %arg7[%dma_wait3A_217, %dma_wait3A_218] : memref<301x128xf32, #tpu.memory_space<vmem_shared>> -> memref<301x128xf32, #tpu.memory_space<vmem_shared>>
    tpu.wait_indirect_dma semaphore(%arg8 : memref<!tpu.dma_semaphore, #tpu.memory_space<semaphore_mem>>) src(%dma_wait3A_219 : memref<301x128xf32, #tpu.memory_space<vmem_shared>>) dst(%dma_wait3A_214 : memref<64x128xf32, #tpu.memory_space<vmem>>)
    %add3A_220 = arith.constant 448 : i32
    %add3A_221 = arith.addi %mul3A_2, %add3A_220 : i32
    %dma_start3A_222 = arith.constant 448 : i32
    %dma_start3A_223 = arith.constant 0 : i32
    %dma_start3A_224 = tpu.memref_slice %arg6[%dma_start3A_222, %dma_start3A_223] : memref<512x128xf32, #tpu.memory_space<vmem>> -> memref<64x128xf32, #tpu.memory_space<vmem>>
    %dma_start3A_225 = arith.constant 0 : i32
    %dma_start3A_226 = tpu.memref_slice %arg4[%add3A_221, %dma_start3A_225] : memref<16384x128xf32, #tpu.memory_space<hbm>> -> memref<64x128xf32, #tpu.memory_space<hbm>>
    %dma_start3A_227 = arith.constant 0 : i32
    %dma_start3A_228 = tpu.memref_slice %arg4[%add3A_221, %dma_start3A_227] : memref<16384x128xf32, #tpu.memory_space<hbm>> -> memref<64x128xf32, #tpu.memory_space<hbm>>
    %dma_start3A_229 = arith.constant 448 : i32
    %dma_start3A_230 = arith.constant 0 : i32
    %dma_start3A_231 = tpu.memref_slice %arg6[%dma_start3A_229, %dma_start3A_230] : memref<512x128xf32, #tpu.memory_space<vmem>> -> memref<64x128xf32, #tpu.memory_space<vmem>>
    tpu.enqueue_dma source(%dma_start3A_231 : memref<64x128xf32, #tpu.memory_space<vmem>>) target(%dma_start3A_228 : memref<64x128xf32, #tpu.memory_space<hbm>>) target_semaphore(%arg9 : memref<!tpu.dma_semaphore, #tpu.memory_space<semaphore_mem>>)
    %add3A_232 = arith.constant 0 : i32
    %add3A_233 = arith.addi %mul3A_2, %add3A_232 : i32
    %dma_wait3A_234 = arith.constant 0 : i32
    %dma_wait3A_235 = arith.constant 0 : i32
    %dma_wait3A_236 = tpu.memref_slice %arg6[%dma_wait3A_234, %dma_wait3A_235] : memref<512x128xf32, #tpu.memory_space<vmem>> -> memref<64x128xf32, #tpu.memory_space<vmem>>
    %dma_wait3A_237 = arith.constant 0 : i32
    %dma_wait3A_238 = tpu.memref_slice %arg4[%add3A_233, %dma_wait3A_237] : memref<16384x128xf32, #tpu.memory_space<hbm>> -> memref<64x128xf32, #tpu.memory_space<hbm>>
    %dma_wait3A_239 = arith.constant 0 : i32
    %dma_wait3A_240 = tpu.memref_slice %arg4[%add3A_233, %dma_wait3A_239] : memref<16384x128xf32, #tpu.memory_space<hbm>> -> memref<64x128xf32, #tpu.memory_space<hbm>>
    %dma_wait3A_241 = arith.constant 0 : i32
    %dma_wait3A_242 = arith.constant 0 : i32
    %dma_wait3A_243 = tpu.memref_slice %arg6[%dma_wait3A_241, %dma_wait3A_242] : memref<512x128xf32, #tpu.memory_space<vmem>> -> memref<64x128xf32, #tpu.memory_space<vmem>>
    tpu.wait_dma2 semaphore(%arg9 : memref<!tpu.dma_semaphore, #tpu.memory_space<semaphore_mem>>) src(%dma_wait3A_243 : memref<64x128xf32, #tpu.memory_space<vmem>>) dst(%dma_wait3A_240 : memref<64x128xf32, #tpu.memory_space<hbm>>)
    %add3A_244 = arith.constant 64 : i32
    %add3A_245 = arith.addi %mul3A_2, %add3A_244 : i32
    %dma_wait3A_246 = arith.constant 64 : i32
    %dma_wait3A_247 = arith.constant 0 : i32
    %dma_wait3A_248 = tpu.memref_slice %arg6[%dma_wait3A_246, %dma_wait3A_247] : memref<512x128xf32, #tpu.memory_space<vmem>> -> memref<64x128xf32, #tpu.memory_space<vmem>>
    %dma_wait3A_249 = arith.constant 0 : i32
    %dma_wait3A_250 = tpu.memref_slice %arg4[%add3A_245, %dma_wait3A_249] : memref<16384x128xf32, #tpu.memory_space<hbm>> -> memref<64x128xf32, #tpu.memory_space<hbm>>
    %dma_wait3A_251 = arith.constant 0 : i32
    %dma_wait3A_252 = tpu.memref_slice %arg4[%add3A_245, %dma_wait3A_251] : memref<16384x128xf32, #tpu.memory_space<hbm>> -> memref<64x128xf32, #tpu.memory_space<hbm>>
    %dma_wait3A_253 = arith.constant 64 : i32
    %dma_wait3A_254 = arith.constant 0 : i32
    %dma_wait3A_255 = tpu.memref_slice %arg6[%dma_wait3A_253, %dma_wait3A_254] : memref<512x128xf32, #tpu.memory_space<vmem>> -> memref<64x128xf32, #tpu.memory_space<vmem>>
    tpu.wait_dma2 semaphore(%arg9 : memref<!tpu.dma_semaphore, #tpu.memory_space<semaphore_mem>>) src(%dma_wait3A_255 : memref<64x128xf32, #tpu.memory_space<vmem>>) dst(%dma_wait3A_252 : memref<64x128xf32, #tpu.memory_space<hbm>>)
    %add3A_256 = arith.constant 128 : i32
    %add3A_257 = arith.addi %mul3A_2, %add3A_256 : i32
    %dma_wait3A_258 = arith.constant 128 : i32
    %dma_wait3A_259 = arith.constant 0 : i32
    %dma_wait3A_260 = tpu.memref_slice %arg6[%dma_wait3A_258, %dma_wait3A_259] : memref<512x128xf32, #tpu.memory_space<vmem>> -> memref<64x128xf32, #tpu.memory_space<vmem>>
    %dma_wait3A_261 = arith.constant 0 : i32
    %dma_wait3A_262 = tpu.memref_slice %arg4[%add3A_257, %dma_wait3A_261] : memref<16384x128xf32, #tpu.memory_space<hbm>> -> memref<64x128xf32, #tpu.memory_space<hbm>>
    %dma_wait3A_263 = arith.constant 0 : i32
    %dma_wait3A_264 = tpu.memref_slice %arg4[%add3A_257, %dma_wait3A_263] : memref<16384x128xf32, #tpu.memory_space<hbm>> -> memref<64x128xf32, #tpu.memory_space<hbm>>
    %dma_wait3A_265 = arith.constant 128 : i32
    %dma_wait3A_266 = arith.constant 0 : i32
    %dma_wait3A_267 = tpu.memref_slice %arg6[%dma_wait3A_265, %dma_wait3A_266] : memref<512x128xf32, #tpu.memory_space<vmem>> -> memref<64x128xf32, #tpu.memory_space<vmem>>
    tpu.wait_dma2 semaphore(%arg9 : memref<!tpu.dma_semaphore, #tpu.memory_space<semaphore_mem>>) src(%dma_wait3A_267 : memref<64x128xf32, #tpu.memory_space<vmem>>) dst(%dma_wait3A_264 : memref<64x128xf32, #tpu.memory_space<hbm>>)
    %add3A_268 = arith.constant 192 : i32
    %add3A_269 = arith.addi %mul3A_2, %add3A_268 : i32
    %dma_wait3A_270 = arith.constant 192 : i32
    %dma_wait3A_271 = arith.constant 0 : i32
    %dma_wait3A_272 = tpu.memref_slice %arg6[%dma_wait3A_270, %dma_wait3A_271] : memref<512x128xf32, #tpu.memory_space<vmem>> -> memref<64x128xf32, #tpu.memory_space<vmem>>
    %dma_wait3A_273 = arith.constant 0 : i32
    %dma_wait3A_274 = tpu.memref_slice %arg4[%add3A_269, %dma_wait3A_273] : memref<16384x128xf32, #tpu.memory_space<hbm>> -> memref<64x128xf32, #tpu.memory_space<hbm>>
    %dma_wait3A_275 = arith.constant 0 : i32
    %dma_wait3A_276 = tpu.memref_slice %arg4[%add3A_269, %dma_wait3A_275] : memref<16384x128xf32, #tpu.memory_space<hbm>> -> memref<64x128xf32, #tpu.memory_space<hbm>>
    %dma_wait3A_277 = arith.constant 192 : i32
    %dma_wait3A_278 = arith.constant 0 : i32
    %dma_wait3A_279 = tpu.memref_slice %arg6[%dma_wait3A_277, %dma_wait3A_278] : memref<512x128xf32, #tpu.memory_space<vmem>> -> memref<64x128xf32, #tpu.memory_space<vmem>>
    tpu.wait_dma2 semaphore(%arg9 : memref<!tpu.dma_semaphore, #tpu.memory_space<semaphore_mem>>) src(%dma_wait3A_279 : memref<64x128xf32, #tpu.memory_space<vmem>>) dst(%dma_wait3A_276 : memref<64x128xf32, #tpu.memory_space<hbm>>)
    %add3A_280 = arith.constant 256 : i32
    %add3A_281 = arith.addi %mul3A_2, %add3A_280 : i32
    %dma_wait3A_282 = arith.constant 256 : i32
    %dma_wait3A_283 = arith.constant 0 : i32
    %dma_wait3A_284 = tpu.memref_slice %arg6[%dma_wait3A_282, %dma_wait3A_283] : memref<512x128xf32, #tpu.memory_space<vmem>> -> memref<64x128xf32, #tpu.memory_space<vmem>>
    %dma_wait3A_285 = arith.constant 0 : i32
    %dma_wait3A_286 = tpu.memref_slice %arg4[%add3A_281, %dma_wait3A_285] : memref<16384x128xf32, #tpu.memory_space<hbm>> -> memref<64x128xf32, #tpu.memory_space<hbm>>
    %dma_wait3A_287 = arith.constant 0 : i32
    %dma_wait3A_288 = tpu.memref_slice %arg4[%add3A_281, %dma_wait3A_287] : memref<16384x128xf32, #tpu.memory_space<hbm>> -> memref<64x128xf32, #tpu.memory_space<hbm>>
    %dma_wait3A_289 = arith.constant 256 : i32
    %dma_wait3A_290 = arith.constant 0 : i32
    %dma_wait3A_291 = tpu.memref_slice %arg6[%dma_wait3A_289, %dma_wait3A_290] : memref<512x128xf32, #tpu.memory_space<vmem>> -> memref<64x128xf32, #tpu.memory_space<vmem>>
    tpu.wait_dma2 semaphore(%arg9 : memref<!tpu.dma_semaphore, #tpu.memory_space<semaphore_mem>>) src(%dma_wait3A_291 : memref<64x128xf32, #tpu.memory_space<vmem>>) dst(%dma_wait3A_288 : memref<64x128xf32, #tpu.memory_space<hbm>>)
    %add3A_292 = arith.constant 320 : i32
    %add3A_293 = arith.addi %mul3A_2, %add3A_292 : i32
    %dma_wait3A_294 = arith.constant 320 : i32
    %dma_wait3A_295 = arith.constant 0 : i32
    %dma_wait3A_296 = tpu.memref_slice %arg6[%dma_wait3A_294, %dma_wait3A_295] : memref<512x128xf32, #tpu.memory_space<vmem>> -> memref<64x128xf32, #tpu.memory_space<vmem>>
    %dma_wait3A_297 = arith.constant 0 : i32
    %dma_wait3A_298 = tpu.memref_slice %arg4[%add3A_293, %dma_wait3A_297] : memref<16384x128xf32, #tpu.memory_space<hbm>> -> memref<64x128xf32, #tpu.memory_space<hbm>>
    %dma_wait3A_299 = arith.constant 0 : i32
    %dma_wait3A_300 = tpu.memref_slice %arg4[%add3A_293, %dma_wait3A_299] : memref<16384x128xf32, #tpu.memory_space<hbm>> -> memref<64x128xf32, #tpu.memory_space<hbm>>
    %dma_wait3A_301 = arith.constant 320 : i32
    %dma_wait3A_302 = arith.constant 0 : i32
    %dma_wait3A_303 = tpu.memref_slice %arg6[%dma_wait3A_301, %dma_wait3A_302] : memref<512x128xf32, #tpu.memory_space<vmem>> -> memref<64x128xf32, #tpu.memory_space<vmem>>
    tpu.wait_dma2 semaphore(%arg9 : memref<!tpu.dma_semaphore, #tpu.memory_space<semaphore_mem>>) src(%dma_wait3A_303 : memref<64x128xf32, #tpu.memory_space<vmem>>) dst(%dma_wait3A_300 : memref<64x128xf32, #tpu.memory_space<hbm>>)
    %add3A_304 = arith.constant 384 : i32
    %add3A_305 = arith.addi %mul3A_2, %add3A_304 : i32
    %dma_wait3A_306 = arith.constant 384 : i32
    %dma_wait3A_307 = arith.constant 0 : i32
    %dma_wait3A_308 = tpu.memref_slice %arg6[%dma_wait3A_306, %dma_wait3A_307] : memref<512x128xf32, #tpu.memory_space<vmem>> -> memref<64x128xf32, #tpu.memory_space<vmem>>
    %dma_wait3A_309 = arith.constant 0 : i32
    %dma_wait3A_310 = tpu.memref_slice %arg4[%add3A_305, %dma_wait3A_309] : memref<16384x128xf32, #tpu.memory_space<hbm>> -> memref<64x128xf32, #tpu.memory_space<hbm>>
    %dma_wait3A_311 = arith.constant 0 : i32
    %dma_wait3A_312 = tpu.memref_slice %arg4[%add3A_305, %dma_wait3A_311] : memref<16384x128xf32, #tpu.memory_space<hbm>> -> memref<64x128xf32, #tpu.memory_space<hbm>>
    %dma_wait3A_313 = arith.constant 384 : i32
    %dma_wait3A_314 = arith.constant 0 : i32
    %dma_wait3A_315 = tpu.memref_slice %arg6[%dma_wait3A_313, %dma_wait3A_314] : memref<512x128xf32, #tpu.memory_space<vmem>> -> memref<64x128xf32, #tpu.memory_space<vmem>>
    tpu.wait_dma2 semaphore(%arg9 : memref<!tpu.dma_semaphore, #tpu.memory_space<semaphore_mem>>) src(%dma_wait3A_315 : memref<64x128xf32, #tpu.memory_space<vmem>>) dst(%dma_wait3A_312 : memref<64x128xf32, #tpu.memory_space<hbm>>)
    %add3A_316 = arith.constant 448 : i32
    %add3A_317 = arith.addi %mul3A_2, %add3A_316 : i32
    %dma_wait3A_318 = arith.constant 448 : i32
    %dma_wait3A_319 = arith.constant 0 : i32
    %dma_wait3A_320 = tpu.memref_slice %arg6[%dma_wait3A_318, %dma_wait3A_319] : memref<512x128xf32, #tpu.memory_space<vmem>> -> memref<64x128xf32, #tpu.memory_space<vmem>>
    %dma_wait3A_321 = arith.constant 0 : i32
    %dma_wait3A_322 = tpu.memref_slice %arg4[%add3A_317, %dma_wait3A_321] : memref<16384x128xf32, #tpu.memory_space<hbm>> -> memref<64x128xf32, #tpu.memory_space<hbm>>
    %dma_wait3A_323 = arith.constant 0 : i32
    %dma_wait3A_324 = tpu.memref_slice %arg4[%add3A_317, %dma_wait3A_323] : memref<16384x128xf32, #tpu.memory_space<hbm>> -> memref<64x128xf32, #tpu.memory_space<hbm>>
    %dma_wait3A_325 = arith.constant 448 : i32
    %dma_wait3A_326 = arith.constant 0 : i32
    %dma_wait3A_327 = tpu.memref_slice %arg6[%dma_wait3A_325, %dma_wait3A_326] : memref<512x128xf32, #tpu.memory_space<vmem>> -> memref<64x128xf32, #tpu.memory_space<vmem>>
    tpu.wait_dma2 semaphore(%arg9 : memref<!tpu.dma_semaphore, #tpu.memory_space<semaphore_mem>>) src(%dma_wait3A_327 : memref<64x128xf32, #tpu.memory_space<vmem>>) dst(%dma_wait3A_324 : memref<64x128xf32, #tpu.memory_space<hbm>>)
    return
  }
}

</mosaic_0001>

<sc_bundles>
// kernel: kernel.3.cloned.1.call-start
scs
__scs_entry_jumppad:
0x0: {  	(pc) =	sbr.rel $0x88, $3  }
0x1: {  	(tag) =	ssettag $0x0;
	lr =	simm.s32 $0x1  }
0x2: {  	[smem:$0x3FA0] =	sst lr;
	_ =	strace $0xD0000000  }
0x3: {  	_ = 	snop  }
0x4: {  	_ = 	snop  }
0x5: {  	_ = 	snop  }
0x6: {  	_ = 	snop  }
0x7: {  	_ = 	snop  }
__scs_overlays_trampoline_lowered:
0x8: {  	[smem:$0x3FAF] =	sst s0  }
0x9: {  	[smem:$0x3FB0] =	sst s1  }
0xa: {  	[smem:$0x3FB1] =	sst s2  }
0xb: {  	[smem:$0x3FB2] =	sst s3  }
0xc: {  	[smem:$0x3FB3] =	sst s4  }
0xd: {  	[smem:$0x3FB4] =	sst s5  }
0xe: {  	[smem:$0x3FB5] =	sst s6  }
0xf: {  	[smem:$0x3FB6] =	sst s7  }
0x10: {  	[smem:$0x3FB7] =	sst s8  }
0x11: {  	[smem:$0x3FB8] =	sst s9;
	s0 =	simm.s32 @!p0 $0x0  }
0x12: {  	s1 =	sld [smem:$0x3F9E];
	s0 =	simm.s32 @p0 $0x1  }
0x13: {  	[smem:$0x3FB9] =	sst s0;
	s0 =	simm.s32 @!p1 $0x0  }
0x14: {  	s2 =	sld [smem:$0x3F9D];
	s0 =	simm.s32 @p1 $0x1  }
0x15: {  	[smem:$0x3FBA] =	sst s0;
	s0 =	simm.s32 @!p2 $0x0  }
0x16: {  	s3 =	sld [smem:$0x3FDB];
	s0 =	simm.s32 @p2 $0x1  }
0x17: {  	s4 =	simm.s32 $0x1BF5;
	[smem:$0x3FBC] =	sst s0  }
0x18: {  	s0 =	sld [smem:$0x3F9F];
	_ =	swait.ge [sflag:s4], $0x0  }
0x19: {  	s7 =	sld [smem:$0x3FA0]  }
0x1a: {  	s8 =	sadd.s32 $0xFFFFE003, lr  }
0x1b: {  	s9 =	sadd.s32 $0xFFFFFEF7, lr;
	s5 =	simm.s32 $0xFFFFFFFF;
	p2 =	slt.u32 s8, $0xFFFFF086  }
0x1c: {  	p1 =	slt.u32 s9, $0xF7A;
	s5 =	simm.s32 @!p2 $0x0  }
0x1d: {  	s5 =	simm.s32 @p1 $0x1;
	p0 =	seq.s32 s7, s2  }
0x1e: {  	s7 =	smul.u32 @!p0 $0xF7A, s2;
	p2 =	seq.s32 @!p0 s5, $0x0  }
0x1f: {  	s9 =	smul.u32 $0xF7A, s1;
	s8 =	simm.s32 @!p0 $0x1BF5;
	p2 =	por !p2, p0  }
0x20: {  	[sflag:s8] =	ssyncset.s32 @!p0 $0xFFFFF086;
	s6 =	sadd.s32 @!p0 s3, s7;
	s7 =	simm.s32 @!p0 $0x108  }
0x21: {  	s3 =	sadd.s32 s3, s9;
	s6 =	sadd.s32 @!p0 $0x88, s6;
	s7 =	simm.s32 @p2 $0x1082  }
0x22: {  	[simem:s7], [sflag:s8] =	dma.local @!p0 [hbm:s6], $0xF7A  }
0x23: {  	s9 =	sor.u32 $0xD0000000, s2;
	s6 =	simm.s32 $0x108;
	_ =	swait.ge @!p0 [sflag:s8], $0x0  }
0x24: {  	s3 =	sadd.s32 $0x88, s3;
	s6 =	simm.s32 @!p1 $0x1082;
	[sflag:s4] =	ssyncset.s32 $0xFFFFF086  }
0x25: {  	[simem:s6], [sflag:s4] =	dma.local [hbm:s3], $0xF7A  }
0x26: {  	[smem:$0x3FA0] =	sst s1;
	(tag) =	ssettag s2;
	_ =	strace s9  }
0x27: {  	s1 =	sld [smem:$0x3FB0]  }
0x28: {  	s2 =	sld [smem:$0x3FB1]  }
0x29: {  	s4 =	sld [smem:$0x3FB3]  }
0x2a: {  	p0 =	seq.s32 s5, $0x0;
	s5 =	sld [smem:$0x3FB4]  }
0x2b: {  	s6 =	sld [smem:$0x3FB5]  }
0x2c: {  	s7 =	sld [smem:$0x3FB6]  }
0x2d: {  	s3 =	simm.s32 $0x108;
	s8 =	sld [smem:$0x3FB7]  }
0x2e: {  	s3 =	simm.s32 @!p0 $0x1082;
	s9 =	sld [smem:$0x3FB8]  }
0x2f: {  	lr =	sadd.s32 s0, s3;
	s0 =	sld [smem:$0x3FAF]  }
0x30: {  	s3 =	sld [smem:$0x3FB2]  }
0x31: {  	[smem:$0x3FBB] =	sst s10  }
0x32: {  	s10 =	sld [smem:$0x3FB9];
	_ =	sdelay $0x3  }
0x33: {  	p0 =	seq.s32 s10, $0x1;
	s10 =	sld [smem:$0x3FBB];
	_ =	sdelay $0x3  }
0x34: {  	[smem:$0x3FBB] =	sst s10  }
0x35: {  	s10 =	sld [smem:$0x3FBA];
	_ =	sdelay $0x3  }
0x36: {  	p1 =	seq.s32 s10, $0x1;
	s10 =	sld [smem:$0x3FBB];
	_ =	sdelay $0x3  }
0x37: {  	[smem:$0x3FBB] =	sst s10  }
0x38: {  	s10 =	sld [smem:$0x3FBC]  }
0x39: {  	_ = 	snop;
	(pc) =	sbr.ind lr, $3  }
0x3a: {  	_ = 	snop  }
0x3b: {  	_ = 	snop  }
0x3c: {  	p2 =	seq.s32 s10, $0x1;
	s10 =	sld [smem:$0x3FBB]  }
0x3d: {  	_ =	shalt  }
0x3e: {  	_ =	shalt  }
0x3f: {  	_ =	shalt  }
0x40: {  	_ =	shalt  }
0x41: {  	_ =	shalt  }
0x42: {  	_ =	shalt  }
0x43: {  	_ =	shalt  }
0x44: {  	_ =	shalt  }
0x45: {  	_ =	shalt  }
0x46: {  	_ =	shalt  }
0x47: {  	_ =	shalt  }
0x48: {  	_ =	shalt  }
0x49: {  	_ =	shalt  }
0x4a: {  	_ =	shalt  }
0x4b: {  	_ =	shalt  }
0x4c: {  	_ =	shalt  }
0x4d: {  	_ =	shalt  }
0x4e: {  	_ =	shalt  }
0x4f: {  	_ =	shalt  }
0x50: {  	_ =	shalt  }
0x51: {  	_ =	shalt  }
0x52: {  	_ =	shalt  }
0x53: {  	_ =	shalt  }
0x54: {  	_ =	shalt  }
0x55: {  	_ =	shalt  }
0x56: {  	_ =	shalt  }
0x57: {  	_ =	shalt  }
0x58: {  	_ =	shalt  }
0x59: {  	_ =	shalt  }
0x5a: {  	_ =	shalt  }
0x5b: {  	_ =	shalt  }
0x5c: {  	_ =	shalt  }
0x5d: {  	_ =	shalt  }
0x5e: {  	_ =	shalt  }
0x5f: {  	_ =	shalt  }
0x60: {  	_ =	shalt  }
0x61: {  	_ =	shalt  }
0x62: {  	_ =	shalt  }
0x63: {  	_ =	shalt  }
0x64: {  	_ =	shalt  }
0x65: {  	_ =	shalt  }
0x66: {  	_ =	shalt  }
0x67: {  	_ =	shalt  }
0x68: {  	_ =	shalt  }
0x69: {  	_ =	shalt  }
0x6a: {  	_ =	shalt  }
0x6b: {  	_ =	shalt  }
0x6c: {  	_ =	shalt  }
0x6d: {  	_ =	shalt  }
0x6e: {  	_ =	shalt  }
0x6f: {  	_ =	shalt  }
0x70: {  	_ =	shalt  }
0x71: {  	_ =	shalt  }
0x72: {  	_ =	shalt  }
0x73: {  	_ =	shalt  }
0x74: {  	_ =	shalt  }
0x75: {  	_ =	shalt  }
0x76: {  	_ =	shalt  }
0x77: {  	_ =	shalt  }
0x78: {  	_ =	shalt  }
0x79: {  	_ =	shalt  }
0x7a: {  	_ =	shalt  }
0x7b: {  	_ =	shalt  }
0x7c: {  	_ =	shalt  }
0x7d: {  	_ =	shalt  }
0x7e: {  	_ =	shalt  }
0x7f: {  	_ =	shalt  }
0x80: {  	_ =	shalt  }
0x81: {  	_ =	shalt  }
0x82: {  	_ =	shalt  }
0x83: {  	_ =	shalt  }
0x84: {  	_ =	shalt  }
0x85: {  	_ =	shalt  }
0x86: {  	_ =	shalt  }
0x87: {  	_ =	shalt  }
.Lfunc_end0:
.L_simem_size_0:
called_computation_lowered:
.L_overlay_start_0:
0x88: {  	s2 =	sld [smem:$0x3FD9]  }
0x89: {  	s3 =	sld [smem:$0x3FFE];
	_ =	sdelay $0x1  }
0x8a: {  	s1 =	srdreg.scid  }
0x8b: {  	s0 =	sand.u32 $0x1, s1  }
0x8c: {  	s17 =	sshll.u32 s0, $0xA;
	s2 =	sadd.s32 s3, s2  }
0x8d: {  	s2 =	sadd.s32 s2, s17  }
0x8e: {  	[smem:$0x3FC7] =	sst s2  }
0x8f: {  	_ = 	snop  }
0x90: {  	s2 =	sld [smem:$0x3FC9]  }
0x91: {  	s18 =	sld [smem:$0x3FD0];
	(tm) =	ssettm $0x1  }
0x92: {  	s4 =	sld [smem:$0x3FFB];
	_ =	sdelay $0x3  }
0x93: {  	_ =	strace s4  }
0x94: {  	s4 =	sld [smem:$0x3FFC];
	_ =	sdelay $0x3  }
0x95: {  	_ =	strace s4  }
0x96: {  	s4 =	sld [smem:$0x3FFD];
	_ =	sdelay $0x3  }
0x97: {  	_ =	strace s4  }
0x98: {  	_ =	strace $0x8FFFFFFF  }
0x99: {  	s19 =	sld [smem:$0x3FDB];
	_ =	sdelay $0x1  }
0x9a: {  	s5 =	simm.s32 $_scs_section_size  }
0x9b: {  	s6 =	simm.s32 $_size__tile_overlayer_lowered;
	s7 =	simm.s32 $_tile_overlayer_lowered  }
0x9c: {  	s22 =	simm.s32 $0x1BFF;
	s21 =	sshll.u32 s7, $0x1;
	s4 =	sadd.s32 s5, s19  }
0x9d: {  	s8 =	simm.s32 $0x0;
	s20 =	sshll.u32 s6, $0x1;
	s6 =	sadd.s32 s21, s4  }
0x9e: {  	[timem:s8], [sflag:s22] =	dma.local [hbm:s6], s20  }
0x9f: {  	_ =	swait.ge [sflag:s22], s20  }
0xa0: {  	s5 =	ssub.s32 $0x0, s20;
	[sflag:s22] =	ssyncset.done $0x0  }
0xa1: {  	[sflag:s22] =	ssyncadd.s32 s5;
	_ =	sdelay $0x1  }
0xa2: {  	s23 =	simm.s32 $0x1B8B  }
0xa3: {  	_ =	swait.ge [sflag:s23], $0x1  }
0xa4: {  	[sflag:s23] =	ssyncset.done $0x0  }
0xa5: {  	s25 =	simm.s32 $0x1B8E;
	s24 =	sld [smem:$0x3FFE];
	[sflag:s23] =	ssyncadd.s32 $0xFFFFFFFF  }
0xa6: {  	s26 =	simm.s32 $execute0_lowered;
	[smem:$0x3FD2] =	sst s25  }
0xa7: {  	s6 =	sshll.u32 s26, $0x1;
	_ =	strace $0x80000046;
	[dreg:$0x1] =	wrdreg $0xFFFFFFFF  }
0xa8: {  	s28 =	simm.s32 $_size_execute0_lowered;
	s4 =	sadd.s32 s4, s6;
	[dreg:$0x0] =	wrdreg $0x0  }
0xa9: {  	s6 =	sshll.u32 s28, $0x1;
	[dreg:$0x2] =	wrdreg s4  }
0xaa: {  	[dreg:$0x3] =	wrdreg s6  }
0xab: {  	[dreg:$0x4] =	wrdreg $0xC0  }
0xac: {  	_ =	task [dreg:s8], $0x5FFFF  }
0xad: {  	[dreg:$0x1] =	wrdreg $0xFFFFFFFF  }
0xae: {  	[dreg:$0x0] =	wrdreg $0x60  }
0xaf: {  	[dreg:$0x2] =	wrdreg s24  }
0xb0: {  	[dreg:$0x3] =	wrdreg s2  }
0xb1: {  	[dreg:$0x4] =	wrdreg s18  }
0xb2: {  	[dreg:$0x5] =	wrdreg $0x102000  }
0xb3: {  	[dreg:$0x6] =	wrdreg $0x9  }
0xb4: {  	_ =	task.clear_ibuf [dreg:s8], $0x7FFFF;
	_ =	strace $0x90000046  }
0xb5: {  	s29 =	simm.s32 $0x9;
	_ =	strace $0x80000048  }
0xb6: {  	_ =	swait.ge [sflag:s29], $0x1  }
0xb7: {  	[sflag:s29] =	ssyncadd.s32 $0xFFFFFFFF  }
0xb8: {  	_ =	strace $0x90000048  }
0xb9: {  	_ =	sfence  }
0xba: {  	s30 =	sld [smem:$0x0];
	_ =	sdelay $0x2  }
0xbb: {  	s31 =	sshll.u32 s1, $0xD;
	s1 =	sshrl.u32 s1, $0x2  }
0xbc: {  	s3 =	sand.u32 $0x4000, s31;
	s1 =	sadd.s32 s1, s30  }
0xbd: {  	s0 =	sor.u32 s3, s0;
	s1 =	sshll.u32 s1, $0x11  }
0xbe: {  	s0 =	sor.u32 s1, s0  }
0xbf: {  	s0 =	sadd.s32 $0x8F2B, s0  }
0xc0: {  	[sflag:s0] =	ssyncadd.remote.s32 $0x1  }
0xc1: {  	_ =	sfence.sel $0xFFFF  }
0xc2: {  	[dreg:$0x0] =	wrdreg $0xFFFFFFFF;
	(pc) =	sbr.abs _section_cstart, $3  }
0xc3: {  	[dreg:$0x1] =	wrdreg $0xFFFFFFFF  }
0xc4: {  	_ =	task.clear_ibuf [dreg:s8], $0x2FFFF;
	_ =	strace $0x9FFFFFFF  }
0xc5: {  	(tm) =	ssettm $0x7FFFFFFF  }
tec
execute0_lowered:
.L_overlay_start_1:
0x0: {  	(tag) =	ssettag $0x1  }
0x1: {  	s0 =	rddreg [dreg:$0x0]  }
0x2: {  	s2 =	rddreg [dreg:$0x1]  }
0x3: {  	s3 =	rddreg [dreg:$0x2]  }
0x4: {  	s4 =	rddreg [dreg:$0x3]  }
0x5: {  	s25 =	rddreg [dreg:$0x4];
	s5 =	srdreg.scid  }
0x6: {  	s1 =	simm.s32 $0x0;
	s8 =	stileid.u32;
	s17 =	simm.s32 $0x40  }
0x7: {  	s16 =	simm.s32 $0x200;
	s15 =	simm.s32 $0x2200;
	s19 =	simm.s32 $0x80  }
0x8: {  	s14 =	simm.s32 $0x4200;
	s13 =	simm.s32 $0x6200;
	s12 =	simm.s32 $0x8200  }
0x9: {  	s11 =	simm.s32 $0xA200;
	s9 =	simm.s32 $0xC200;
	s10 =	simm.s32 $0x1  }
0xa: {  	p1 =	por $0x0, $0x0;
	s5 =	sand.u32 $0x1, s5;
	[smem:$0x7FF] =	sst s1  }
0xb: {  	s6 =	sshll.u32 s8, $0xA;
	s0 =	sadd.s32 $0x400, s0;
	p0 =	sne.s32 s8, $0x0  }
0xc: {  	s8 =	simm.s32 $0xE200;
	s7 =	sshll.u32 s5, $0x9;
	_ =	strace $0x80000047  }
0xd: {  	[dreg:$0x5] =	wrdreg s0;
	s21 =	sshll.u32 s5, $0x6;
	s26 =	ssub.s32 $0x2, s5  }
0xe: {  	s6 =	sor.u32 s7, s6;
	s22 =	sadd.s32 s2, s21;
	s29 =	sshrl.u32 s26, $0x1  }
0xf: {  	s21 =	simm.s32 $0x100;
	s20 =	sshrl.u32 s6, $0x3;
	s6 =	sshll.u32 s6, $0x4  }
0x10: {  	[dreg:$0x7] =	wrdreg s22;
	s0 =	sadd.s32 s2, s20;
	s2 =	ssub.s32 s26, s29  }
0x11: {  	s22 =	simm.s32 $0x140;
	s7 =	sadd.s32 s3, s6;
	s31 =	smax.u32 s2, $0x1  }
0x12: {  	s20 =	simm.s32 $0xC0;
	[dreg:$0x6] =	wrdreg s0;
	s0 =	sadd.s32 $0xFFFFFFFF, s31  }
0x13: {  	s26 =	simm.s32 $0x1C0;
	s23 =	sadd.s32 $0x400, s7;
	p2 =	sne.s32 s0, $0x0  }
.Ltmp0:
0x14: {  	s24 =	sadd.s32 $0x800, s7;
	[dreg:$0x8] =	wrdreg s23;
	(pc) =	sbr.rel @!p2 .LBB2_5-.Ltmp0, $4  }
0x15: {  	s28 =	sadd.s32 $0xC00, s7;
	s30 =	sadd.s32 $0x1000, s7;
	[dreg:$0x9] =	wrdreg s24  }
0x16: {  	s6 =	sadd.s32 $0x1400, s7;
	s5 =	sadd.s32 $0x1800, s7;
	[dreg:$0xa] =	wrdreg s28  }
0x17: {  	s3 =	sadd.s32 $0x1C00, s7;
	s2 =	simm.s32 $0x2;
	[dreg:$0xb] =	wrdreg s30  }
0x18: {  	s24 =	sshrl.u32 @!p0 s4, $0x3;
	s23 =	simm.s32 $0x180;
	s18 =	rddreg [dreg:$0x6]  }
0x19: {  	s28 =	simm.s32 @p0 $0x0;
	s26 =	simm.s32 @p0 $0x3  }
0x1a: {  	[tilespmem:s28], [sflag:$0x3] =	stream.linear.gather @p0 [hbm4b:s18+s28], $0x200, $0x38;
	[tilespmem:$0x10B68] =	vst v63  }
0x1b: {  	_ =	swait.ge @p0 [sflag:s26], $0x200  }
0x1c: {  	[sflag:s26] =	ssyncset.done @p0 $0x0  }
0x1d: {  	s19 =	simm.s32 @!p0 $0x1C01;
	s18 =	rddreg [dreg:$0x5];
	[sflag:s26] =	ssyncadd.s32 @p0 $0xFFFFFE00  }
0x1e: {  	[spmem:s24], [sflag:s19] =	dma.local @!p0 [hbm:s18], $0x12D0  }
0x1f: {  	s29 =	simm.s32 @!p0 $0x0;
	s30 =	simm.s32 @!p0 $0x3;
	s18 =	rddreg [dreg:$0x7]  }
0x20: {  	[tilespmem:s29], [sflag:$0x3] =	stream.linear.gather @!p0 [hbm4b:s18+s29], $0x200, $0x38;
	[tilespmem:$0x10B68] =	vst v63  }
0x21: {  	_ =	swait.ge @!p0 [sflag:s30], $0x200  }
0x22: {  	[sflag:s30] =	ssyncset.done @!p0 $0x0  }
0x23: {  	s31 =	simm.s32 @!p0 $0x1;
	[sflag:s30] =	ssyncadd.s32 @!p0 $0xFFFFFE00  }
0x24: {  	_ =	swait.ge @!p0 [sflag:s31], $0x12D0  }
0x25: {  	[sflag:s31] =	ssyncset.done @!p0 $0x0  }
0x26: {  	[sflag:s31] =	ssyncadd.s32 @!p0 $0xFFFFED30  }
0x27: {  	[bflag:$0x0] =	sbarrier.arrive $0xFFFF  }
0x28: {  	[tilespmem:s16], [sflag:$0x1] =	stream.indirect.gather [spmem:s4], $0x80, s1, s17, $0xb8;
	[tilespmem:$0x10B68] =	vst v63  }
0x29: {  	_ = 	snop  }
0x2a: {  	[tilespmem:s15], [sflag:$0x1] =	stream.indirect.gather [spmem:s4], $0x80, s17, s17, $0xb8;
	[tilespmem:$0x10B68] =	vst v63  }
0x2b: {  	s21 =	simm.s32 $0x80  }
0x2c: {  	[tilespmem:s14], [sflag:$0x1] =	stream.indirect.gather [spmem:s4], $0x80, s21, s17, $0xb8;
	[tilespmem:$0x10B68] =	vst v63  }
0x2d: {  	s22 =	simm.s32 $0xC0  }
0x2e: {  	[tilespmem:s13], [sflag:$0x1] =	stream.indirect.gather [spmem:s4], $0x80, s22, s17, $0xb8;
	[tilespmem:$0x10B68] =	vst v63  }
0x2f: {  	s23 =	simm.s32 $0x100  }
0x30: {  	[tilespmem:s12], [sflag:$0x1] =	stream.indirect.gather [spmem:s4], $0x80, s23, s17, $0xb8;
	[tilespmem:$0x10B68] =	vst v63  }
0x31: {  	s25 =	simm.s32 $0x140  }
0x32: {  	[tilespmem:s11], [sflag:$0x1] =	stream.indirect.gather [spmem:s4], $0x80, s25, s17, $0xb8;
	[tilespmem:$0x10B68] =	vst v63  }
0x33: {  	s19 =	simm.s32 $0x180  }
0x34: {  	[tilespmem:s9], [sflag:$0x1] =	stream.indirect.gather [spmem:s4], $0x80, s19, s17, $0xb8;
	[tilespmem:$0x10B68] =	vst v63  }
0x35: {  	s28 =	simm.s32 $0x1C0  }
0x36: {  	[tilespmem:s8], [sflag:$0x1] =	stream.indirect.gather [spmem:s4], $0x80, s28, s17, $0xb8;
	[tilespmem:$0x10B68] =	vst v63  }
0x37: {  	_ =	swait.ge [sflag:s10], $0x2000  }
0x38: {  	[sflag:s10] =	ssyncset.done $0x0  }
0x39: {  	[sflag:s10] =	ssyncadd.s32 $0xFFFFE000  }
0x3a: {  	[hbm4b:s7+s1] =	stream.linear.scatter [tilespmem:s16], [sflag:$0x2], $0x2000, $0x38;
	[tilespmem:$0x10B68] =	vst v63  }
0x3b: {  	_ =	swait.ge [sflag:s10], $0x2000  }
0x3c: {  	[sflag:s10] =	ssyncset.done $0x0  }
0x3d: {  	s28 =	rddreg [dreg:$0x8];
	[sflag:s10] =	ssyncadd.s32 $0xFFFFE000  }
0x3e: {  	[hbm4b:s28+s1] =	stream.linear.scatter [tilespmem:s15], [sflag:$0x2], $0x2000, $0x38;
	[tilespmem:$0x10B68] =	vst v63  }
0x3f: {  	_ =	swait.ge [sflag:s10], $0x2000  }
0x40: {  	[sflag:s10] =	ssyncset.done $0x0  }
0x41: {  	s28 =	rddreg [dreg:$0x9];
	[sflag:s10] =	ssyncadd.s32 $0xFFFFE000  }
0x42: {  	[hbm4b:s28+s1] =	stream.linear.scatter [tilespmem:s14], [sflag:$0x2], $0x2000, $0x38;
	[tilespmem:$0x10B68] =	vst v63  }
0x43: {  	_ =	swait.ge [sflag:s10], $0x2000  }
0x44: {  	[sflag:s10] =	ssyncset.done $0x0  }
0x45: {  	s28 =	rddreg [dreg:$0xa];
	[sflag:s10] =	ssyncadd.s32 $0xFFFFE000  }
0x46: {  	[hbm4b:s28+s1] =	stream.linear.scatter [tilespmem:s13], [sflag:$0x2], $0x2000, $0x38;
	[tilespmem:$0x10B68] =	vst v63  }
0x47: {  	_ =	swait.ge [sflag:s10], $0x2000  }
0x48: {  	[sflag:s10] =	ssyncset.done $0x0  }
0x49: {  	s28 =	rddreg [dreg:$0xb];
	[sflag:s10] =	ssyncadd.s32 $0xFFFFE000  }
0x4a: {  	[hbm4b:s28+s1] =	stream.linear.scatter [tilespmem:s12], [sflag:$0x2], $0x2000, $0x38;
	[tilespmem:$0x10B68] =	vst v63  }
0x4b: {  	_ =	swait.ge [sflag:s10], $0x2000  }
0x4c: {  	[sflag:s10] =	ssyncset.done $0x0  }
0x4d: {  	[sflag:s10] =	ssyncadd.s32 $0xFFFFE000  }
0x4e: {  	[hbm4b:s6+s1] =	stream.linear.scatter [tilespmem:s11], [sflag:$0x2], $0x2000, $0x38;
	[tilespmem:$0x10B68] =	vst v63  }
0x4f: {  	_ =	swait.ge [sflag:s10], $0x2000  }
0x50: {  	[sflag:s10] =	ssyncset.done $0x0  }
0x51: {  	[sflag:s10] =	ssyncadd.s32 $0xFFFFE000  }
0x52: {  	[hbm4b:s5+s1] =	stream.linear.scatter [tilespmem:s9], [sflag:$0x2], $0x2000, $0x38;
	[tilespmem:$0x10B68] =	vst v63  }
0x53: {  	_ =	swait.ge [sflag:s10], $0x2000  }
0x54: {  	[sflag:s10] =	ssyncset.done $0x0  }
0x55: {  	[sflag:s10] =	ssyncadd.s32 $0xFFFFE000  }
0x56: {  	[hbm4b:s3+s1] =	stream.linear.scatter [tilespmem:s8], [sflag:$0x2], $0x2000, $0x38;
	[tilespmem:$0x10B68] =	vst v63  }
0x57: {  	_ =	swait.ge [sflag:s2], $0x2000  }
0x58: {  	[sflag:s2] =	ssyncset.done $0x0  }
0x59: {  	[sflag:s2] =	ssyncadd.s32 $0xFFFFE000  }
0x5a: {  	_ =	swait.ge [sflag:s2], $0x2000  }
0x5b: {  	[sflag:s2] =	ssyncset.done $0x0  }
0x5c: {  	[sflag:s2] =	ssyncadd.s32 $0xFFFFE000  }
0x5d: {  	_ =	swait.ge [sflag:s2], $0x2000  }
0x5e: {  	[sflag:s2] =	ssyncset.done $0x0  }
0x5f: {  	[sflag:s2] =	ssyncadd.s32 $0xFFFFE000  }
0x60: {  	_ =	swait.ge [sflag:s2], $0x2000  }
0x61: {  	[sflag:s2] =	ssyncset.done $0x0  }
0x62: {  	[sflag:s2] =	ssyncadd.s32 $0xFFFFE000  }
0x63: {  	_ =	swait.ge [sflag:s2], $0x2000  }
0x64: {  	[sflag:s2] =	ssyncset.done $0x0  }
0x65: {  	[sflag:s2] =	ssyncadd.s32 $0xFFFFE000  }
0x66: {  	_ =	swait.ge [sflag:s2], $0x2000  }
0x67: {  	s0 =	sadd.s32 $0xFFFFFFFF, s0;
	[sflag:s2] =	ssyncset.done $0x0  }
0x68: {  	p2 =	sne.s32 s0, $0x0;
	[sflag:s2] =	ssyncadd.s32 $0xFFFFE000  }
.Ltmp1:
0x69: {  	_ =	swait.ge [sflag:s2], $0x2000;
	(pc) =	sbr.rel @!p2 .LBB2_2-.Ltmp1, $4  }
0x6a: {  	s20 =	simm.s32 $0x80;
	p1 =	por $0x1, $0x1;
	[sflag:s2] =	ssyncset.done $0x0  }
0x6b: {  	s21 =	simm.s32 $0xC0;
	s22 =	simm.s32 $0x100;
	[sflag:s2] =	ssyncadd.s32 $0xFFFFE000  }
0x6c: {  	s23 =	simm.s32 $0x140;
	s25 =	simm.s32 $0x180;
	_ =	swait.ge [sflag:s2], $0x2000  }
0x6d: {  	s19 =	simm.s32 $0x1C0;
	s18 =	rddreg [dreg:$0x6];
	[sflag:s2] =	ssyncset.done $0x0  }
.LBB2_3:
0x6e: {  	[sflag:s2] =	ssyncadd.s32 $0xFFFFE000;
	s28 =	simm.s32 @p0 $0x0  }
0x6f: {  	[tilespmem:s28], [sflag:$0x3] =	stream.linear.gather @p0 [hbm4b:s18+s28], $0x200, $0x38;
	[tilespmem:$0x10B68] =	vst v63  }
0x70: {  	_ =	swait.ge @p0 [sflag:s26], $0x200  }
0x71: {  	[sflag:s26] =	ssyncset.done @p0 $0x0  }
0x72: {  	s28 =	simm.s32 @!p0 $0x1C01;
	s18 =	rddreg [dreg:$0x5];
	[sflag:s26] =	ssyncadd.s32 @p0 $0xFFFFFE00  }
0x73: {  	[spmem:s24], [sflag:s28] =	dma.local @!p0 [hbm:s18], $0x12D0  }
0x74: {  	s18 =	rddreg [dreg:$0x7]  }
0x75: {  	[tilespmem:s29], [sflag:$0x3] =	stream.linear.gather @!p0 [hbm4b:s18+s29], $0x200, $0x38;
	[tilespmem:$0x10B68] =	vst v63  }
0x76: {  	_ =	swait.ge @!p0 [sflag:s30], $0x200  }
0x77: {  	[sflag:s30] =	ssyncset.done @!p0 $0x0  }
0x78: {  	[sflag:s30] =	ssyncadd.s32 @!p0 $0xFFFFFE00  }
0x79: {  	_ =	swait.ge @!p0 [sflag:s31], $0x12D0  }
0x7a: {  	[sflag:s31] =	ssyncset.done @!p0 $0x0  }
0x7b: {  	[sflag:s31] =	ssyncadd.s32 @!p0 $0xFFFFED30  }
0x7c: {  	[bflag:$0x0] =	sbarrier.arrive $0xFFFF  }
0x7d: {  	[tilespmem:s16], [sflag:$0x1] =	stream.indirect.gather [spmem:s4], $0x80, s1, s17, $0xb8;
	[tilespmem:$0x10B68] =	vst v63  }
0x7e: {  	_ = 	snop  }
0x7f: {  	[tilespmem:s15], [sflag:$0x1] =	stream.indirect.gather [spmem:s4], $0x80, s17, s17, $0xb8;
	[tilespmem:$0x10B68] =	vst v63  }
0x80: {  	_ = 	snop  }
0x81: {  	[tilespmem:s14], [sflag:$0x1] =	stream.indirect.gather [spmem:s4], $0x80, s20, s17, $0xb8;
	[tilespmem:$0x10B68] =	vst v63  }
0x82: {  	_ = 	snop  }
0x83: {  	[tilespmem:s13], [sflag:$0x1] =	stream.indirect.gather [spmem:s4], $0x80, s21, s17, $0xb8;
	[tilespmem:$0x10B68] =	vst v63  }
0x84: {  	_ = 	snop  }
0x85: {  	[tilespmem:s12], [sflag:$0x1] =	stream.indirect.gather [spmem:s4], $0x80, s22, s17, $0xb8;
	[tilespmem:$0x10B68] =	vst v63  }
0x86: {  	_ = 	snop  }
0x87: {  	[tilespmem:s11], [sflag:$0x1] =	stream.indirect.gather [spmem:s4], $0x80, s23, s17, $0xb8;
	[tilespmem:$0x10B68] =	vst v63  }
0x88: {  	_ = 	snop  }
0x89: {  	[tilespmem:s9], [sflag:$0x1] =	stream.indirect.gather [spmem:s4], $0x80, s25, s17, $0xb8;
	[tilespmem:$0x10B68] =	vst v63  }
0x8a: {  	_ = 	snop  }
0x8b: {  	[tilespmem:s8], [sflag:$0x1] =	stream.indirect.gather [spmem:s4], $0x80, s19, s17, $0xb8;
	[tilespmem:$0x10B68] =	vst v63  }
0x8c: {  	_ =	swait.ge [sflag:s10], $0x2000  }
0x8d: {  	[sflag:s10] =	ssyncset.done $0x0  }
0x8e: {  	[sflag:s10] =	ssyncadd.s32 $0xFFFFE000  }
0x8f: {  	[hbm4b:s7+s1] =	stream.linear.scatter [tilespmem:s16], [sflag:$0x2], $0x2000, $0x38;
	[tilespmem:$0x10B68] =	vst v63  }
0x90: {  	_ =	swait.ge [sflag:s10], $0x2000  }
0x91: {  	[sflag:s10] =	ssyncset.done $0x0  }
0x92: {  	s28 =	rddreg [dreg:$0x8];
	[sflag:s10] =	ssyncadd.s32 $0xFFFFE000  }
0x93: {  	[hbm4b:s28+s1] =	stream.linear.scatter [tilespmem:s15], [sflag:$0x2], $0x2000, $0x38;
	[tilespmem:$0x10B68] =	vst v63  }
0x94: {  	_ =	swait.ge [sflag:s10], $0x2000  }
0x95: {  	[sflag:s10] =	ssyncset.done $0x0  }
0x96: {  	s28 =	rddreg [dreg:$0x9];
	[sflag:s10] =	ssyncadd.s32 $0xFFFFE000  }
0x97: {  	[hbm4b:s28+s1] =	stream.linear.scatter [tilespmem:s14], [sflag:$0x2], $0x2000, $0x38;
	[tilespmem:$0x10B68] =	vst v63  }
0x98: {  	_ =	swait.ge [sflag:s10], $0x2000  }
0x99: {  	[sflag:s10] =	ssyncset.done $0x0  }
0x9a: {  	s28 =	rddreg [dreg:$0xa];
	[sflag:s10] =	ssyncadd.s32 $0xFFFFE000  }
0x9b: {  	[hbm4b:s28+s1] =	stream.linear.scatter [tilespmem:s13], [sflag:$0x2], $0x2000, $0x38;
	[tilespmem:$0x10B68] =	vst v63  }
0x9c: {  	_ =	swait.ge [sflag:s10], $0x2000  }
0x9d: {  	[sflag:s10] =	ssyncset.done $0x0  }
0x9e: {  	s28 =	rddreg [dreg:$0xb];
	[sflag:s10] =	ssyncadd.s32 $0xFFFFE000  }
0x9f: {  	[hbm4b:s28+s1] =	stream.linear.scatter [tilespmem:s12], [sflag:$0x2], $0x2000, $0x38;
	[tilespmem:$0x10B68] =	vst v63  }
0xa0: {  	_ =	swait.ge [sflag:s10], $0x2000  }
0xa1: {  	[sflag:s10] =	ssyncset.done $0x0  }
0xa2: {  	[sflag:s10] =	ssyncadd.s32 $0xFFFFE000  }
0xa3: {  	[hbm4b:s6+s1] =	stream.linear.scatter [tilespmem:s11], [sflag:$0x2], $0x2000, $0x38;
	[tilespmem:$0x10B68] =	vst v63  }
0xa4: {  	_ =	swait.ge [sflag:s10], $0x2000  }
0xa5: {  	[sflag:s10] =	ssyncset.done $0x0  }
0xa6: {  	[sflag:s10] =	ssyncadd.s32 $0xFFFFE000  }
0xa7: {  	[hbm4b:s5+s1] =	stream.linear.scatter [tilespmem:s9], [sflag:$0x2], $0x2000, $0x38;
	[tilespmem:$0x10B68] =	vst v63  }
0xa8: {  	_ =	swait.ge [sflag:s10], $0x2000  }
0xa9: {  	[sflag:s10] =	ssyncset.done $0x0  }
0xaa: {  	[sflag:s10] =	ssyncadd.s32 $0xFFFFE000  }
0xab: {  	[hbm4b:s3+s1] =	stream.linear.scatter [tilespmem:s8], [sflag:$0x2], $0x2000, $0x38;
	[tilespmem:$0x10B68] =	vst v63  }
0xac: {  	_ =	swait.ge [sflag:s2], $0x2000  }
0xad: {  	[sflag:s2] =	ssyncset.done $0x0  }
0xae: {  	[sflag:s2] =	ssyncadd.s32 $0xFFFFE000  }
0xaf: {  	_ =	swait.ge [sflag:s2], $0x2000  }
0xb0: {  	[sflag:s2] =	ssyncset.done $0x0  }
0xb1: {  	[sflag:s2] =	ssyncadd.s32 $0xFFFFE000  }
0xb2: {  	_ =	swait.ge [sflag:s2], $0x2000  }
0xb3: {  	[sflag:s2] =	ssyncset.done $0x0  }
0xb4: {  	[sflag:s2] =	ssyncadd.s32 $0xFFFFE000  }
0xb5: {  	_ =	swait.ge [sflag:s2], $0x2000  }
0xb6: {  	[sflag:s2] =	ssyncset.done $0x0  }
0xb7: {  	[sflag:s2] =	ssyncadd.s32 $0xFFFFE000  }
0xb8: {  	_ =	swait.ge [sflag:s2], $0x2000  }
0xb9: {  	[sflag:s2] =	ssyncset.done $0x0  }
0xba: {  	[sflag:s2] =	ssyncadd.s32 $0xFFFFE000  }
0xbb: {  	_ =	swait.ge [sflag:s2], $0x2000  }
0xbc: {  	s0 =	sadd.s32 $0xFFFFFFFF, s0;
	[sflag:s2] =	ssyncset.done $0x0  }
0xbd: {  	p2 =	sne.s32 s0, $0x0;
	[sflag:s2] =	ssyncadd.s32 $0xFFFFE000  }
.Ltmp2:
0xbe: {  	_ =	swait.ge [sflag:s2], $0x2000;
	(pc) =	sbr.rel @p2 .LBB2_3-.Ltmp2, $4  }
0xbf: {  	[sflag:s2] =	ssyncset.done $0x0  }
0xc0: {  	[sflag:s2] =	ssyncadd.s32 $0xFFFFE000  }
0xc1: {  	_ =	swait.ge [sflag:s2], $0x2000  }
0xc2: {  	s18 =	rddreg [dreg:$0x6];
	[sflag:s2] =	ssyncset.done $0x0  }
0xc3: {  	s25 =	rddreg [dreg:$0x4]  }
0xc4: {  	s19 =	simm.s32 $0x80;
	s20 =	simm.s32 $0xC0;
	s21 =	simm.s32 $0x100  }
0xc5: {  	s22 =	simm.s32 $0x140;
	s23 =	simm.s32 $0x180;
	s26 =	simm.s32 $0x1C0  }
.LBB2_5:
0xc6: {  	[sflag:s2] =	ssyncadd.s32 @p1 $0xFFFFE000;
	s0 =	simm.s32 @p0 $0x0  }
0xc7: {  	[tilespmem:s0], [sflag:$0x3] =	stream.linear.gather @p0 [hbm4b:s18+s0], $0x200, $0x38;
	[tilespmem:$0x10B68] =	vst v63  }
0xc8: {  	s0 =	simm.s32 @p0 $0x3  }
0xc9: {  	_ =	swait.ge @p0 [sflag:s0], $0x200  }
0xca: {  	[sflag:s0] =	ssyncset.done @p0 $0x0  }
0xcb: {  	s18 =	rddreg [dreg:$0x5];
	[sflag:s0] =	ssyncadd.s32 @p0 $0xFFFFFE00;
	s0 =	simm.s32 @!p0 $0x1C01  }
0xcc: {  	[spmem:s24], [sflag:s0] =	dma.local @!p0 [hbm:s18], $0x12D0  }
0xcd: {  	s18 =	simm.s32 @!p0 $0x0;
	s0 =	rddreg [dreg:$0x7]  }
0xce: {  	[tilespmem:s18], [sflag:$0x3] =	stream.linear.gather @!p0 [hbm4b:s0+s18], $0x200, $0x38;
	[tilespmem:$0x10B68] =	vst v63  }
0xcf: {  	s0 =	simm.s32 @!p0 $0x3  }
0xd0: {  	_ =	swait.ge @!p0 [sflag:s0], $0x200  }
0xd1: {  	[sflag:s0] =	ssyncset.done @!p0 $0x0  }
0xd2: {  	[sflag:s0] =	ssyncadd.s32 @!p0 $0xFFFFFE00;
	s0 =	simm.s32 @!p0 $0x1  }
0xd3: {  	_ =	swait.ge @!p0 [sflag:s0], $0x12D0  }
0xd4: {  	[sflag:s0] =	ssyncset.done @!p0 $0x0  }
0xd5: {  	[sflag:s0] =	ssyncadd.s32 @!p0 $0xFFFFED30  }
0xd6: {  	[bflag:$0x0] =	sbarrier.arrive $0xFFFF  }
0xd7: {  	[tilespmem:s16], [sflag:$0x1] =	stream.indirect.gather [spmem:s4], $0x80, s1, s17, $0xb8;
	[tilespmem:$0x10B68] =	vst v63  }
0xd8: {  	_ = 	snop  }
0xd9: {  	[tilespmem:s15], [sflag:$0x1] =	stream.indirect.gather [spmem:s4], $0x80, s17, s17, $0xb8;
	[tilespmem:$0x10B68] =	vst v63  }
0xda: {  	_ = 	snop  }
0xdb: {  	[tilespmem:s14], [sflag:$0x1] =	stream.indirect.gather [spmem:s4], $0x80, s19, s17, $0xb8;
	[tilespmem:$0x10B68] =	vst v63  }
0xdc: {  	_ = 	snop  }
0xdd: {  	[tilespmem:s13], [sflag:$0x1] =	stream.indirect.gather [spmem:s4], $0x80, s20, s17, $0xb8;
	[tilespmem:$0x10B68] =	vst v63  }
0xde: {  	_ = 	snop  }
0xdf: {  	[tilespmem:s12], [sflag:$0x1] =	stream.indirect.gather [spmem:s4], $0x80, s21, s17, $0xb8;
	[tilespmem:$0x10B68] =	vst v63  }
0xe0: {  	_ = 	snop  }
0xe1: {  	[tilespmem:s11], [sflag:$0x1] =	stream.indirect.gather [spmem:s4], $0x80, s22, s17, $0xb8;
	[tilespmem:$0x10B68] =	vst v63  }
0xe2: {  	_ = 	snop  }
0xe3: {  	[tilespmem:s9], [sflag:$0x1] =	stream.indirect.gather [spmem:s4], $0x80, s23, s17, $0xb8;
	[tilespmem:$0x10B68] =	vst v63  }
0xe4: {  	_ = 	snop  }
0xe5: {  	[tilespmem:s8], [sflag:$0x1] =	stream.indirect.gather [spmem:s4], $0x80, s26, s17, $0xb8;
	[tilespmem:$0x10B68] =	vst v63  }
0xe6: {  	_ =	swait.ge [sflag:s10], $0x2000  }
0xe7: {  	[sflag:s10] =	ssyncset.done $0x0  }
0xe8: {  	[sflag:s10] =	ssyncadd.s32 $0xFFFFE000  }
0xe9: {  	[hbm4b:s7+s1] =	stream.linear.scatter [tilespmem:s16], [sflag:$0x2], $0x2000, $0x38;
	[tilespmem:$0x10B68] =	vst v63  }
0xea: {  	_ =	swait.ge [sflag:s10], $0x2000  }
0xeb: {  	[sflag:s10] =	ssyncset.done $0x0  }
0xec: {  	s28 =	rddreg [dreg:$0x8];
	[sflag:s10] =	ssyncadd.s32 $0xFFFFE000  }
0xed: {  	[hbm4b:s28+s1] =	stream.linear.scatter [tilespmem:s15], [sflag:$0x2], $0x2000, $0x38;
	[tilespmem:$0x10B68] =	vst v63  }
0xee: {  	_ =	swait.ge [sflag:s10], $0x2000  }
0xef: {  	[sflag:s10] =	ssyncset.done $0x0  }
0xf0: {  	s29 =	rddreg [dreg:$0x9];
	[sflag:s10] =	ssyncadd.s32 $0xFFFFE000  }
0xf1: {  	[hbm4b:s29+s1] =	stream.linear.scatter [tilespmem:s14], [sflag:$0x2], $0x2000, $0x38;
	[tilespmem:$0x10B68] =	vst v63  }
0xf2: {  	_ =	swait.ge [sflag:s10], $0x2000  }
0xf3: {  	[sflag:s10] =	ssyncset.done $0x0  }
0xf4: {  	s30 =	rddreg [dreg:$0xa];
	[sflag:s10] =	ssyncadd.s32 $0xFFFFE000  }
0xf5: {  	[hbm4b:s30+s1] =	stream.linear.scatter [tilespmem:s13], [sflag:$0x2], $0x2000, $0x38;
	[tilespmem:$0x10B68] =	vst v63  }
0xf6: {  	_ =	swait.ge [sflag:s10], $0x2000  }
0xf7: {  	[sflag:s10] =	ssyncset.done $0x0  }
0xf8: {  	s31 =	rddreg [dreg:$0xb];
	[sflag:s10] =	ssyncadd.s32 $0xFFFFE000  }
0xf9: {  	[hbm4b:s31+s1] =	stream.linear.scatter [tilespmem:s12], [sflag:$0x2], $0x2000, $0x38;
	[tilespmem:$0x10B68] =	vst v63  }
0xfa: {  	_ =	swait.ge [sflag:s10], $0x2000  }
0xfb: {  	[sflag:s10] =	ssyncset.done $0x0  }
0xfc: {  	[sflag:s10] =	ssyncadd.s32 $0xFFFFE000  }
0xfd: {  	[hbm4b:s6+s1] =	stream.linear.scatter [tilespmem:s11], [sflag:$0x2], $0x2000, $0x38;
	[tilespmem:$0x10B68] =	vst v63  }
0xfe: {  	_ =	swait.ge [sflag:s10], $0x2000  }
0xff: {  	[sflag:s10] =	ssyncset.done $0x0  }
0x100: {  	[sflag:s10] =	ssyncadd.s32 $0xFFFFE000  }
0x101: {  	[hbm4b:s5+s1] =	stream.linear.scatter [tilespmem:s9], [sflag:$0x2], $0x2000, $0x38;
	[tilespmem:$0x10B68] =	vst v63  }
0x102: {  	_ =	swait.ge [sflag:s10], $0x2000  }
0x103: {  	[sflag:s10] =	ssyncset.done $0x0  }
0x104: {  	[sflag:s10] =	ssyncadd.s32 $0xFFFFE000  }
0x105: {  	[hbm4b:s3+s1] =	stream.linear.scatter [tilespmem:s8], [sflag:$0x2], $0x2000, $0x38;
	[tilespmem:$0x10B68] =	vst v63  }
0x106: {  	_ =	swait.ge [sflag:s2], $0x2000  }
0x107: {  	[sflag:s2] =	ssyncset.done $0x0  }
0x108: {  	[sflag:s2] =	ssyncadd.s32 $0xFFFFE000  }
0x109: {  	_ =	swait.ge [sflag:s2], $0x2000  }
0x10a: {  	[sflag:s2] =	ssyncset.done $0x0  }
0x10b: {  	[sflag:s2] =	ssyncadd.s32 $0xFFFFE000  }
0x10c: {  	_ =	swait.ge [sflag:s2], $0x2000  }
0x10d: {  	[sflag:s2] =	ssyncset.done $0x0  }
0x10e: {  	[sflag:s2] =	ssyncadd.s32 $0xFFFFE000  }
0x10f: {  	_ =	swait.ge [sflag:s2], $0x2000  }
0x110: {  	[sflag:s2] =	ssyncset.done $0x0  }
0x111: {  	[sflag:s2] =	ssyncadd.s32 $0xFFFFE000  }
0x112: {  	_ =	swait.ge [sflag:s2], $0x2000  }
0x113: {  	[sflag:s2] =	ssyncset.done $0x0  }
0x114: {  	[sflag:s2] =	ssyncadd.s32 $0xFFFFE000  }
0x115: {  	_ =	swait.ge [sflag:s2], $0x2000  }
0x116: {  	[sflag:s2] =	ssyncset.done $0x0  }
0x117: {  	[sflag:s2] =	ssyncadd.s32 $0xFFFFE000  }
0x118: {  	_ =	swait.ge [sflag:s2], $0x2000  }
0x119: {  	[sflag:s2] =	ssyncset.done $0x0  }
0x11a: {  	[sflag:s2] =	ssyncadd.s32 $0xFFFFE000  }
0x11b: {  	_ =	swait.ge [sflag:s2], $0x2000  }
0x11c: {  	[sflag:s2] =	ssyncset.done $0x0  }
0x11d: {  	[sflag:s2] =	ssyncadd.s32 $0xFFFFE000  }
0x11e: {  	_ =	sfence.sel $0x180000  }
0x11f: {  	[bflag:$0x0] =	sbarrier.arrive $0xFFFF  }
0x120: {  	_ =	strace $0x90000047  }
0x121: {  	s0 =	sadd.s32 @!p0 $0x100000, s25;
	[bflag:$0x2] =	sbarrier.arrive $0xFFFF  }
0x122: {  	[sflag:s0] =	ssyncadd.tile.s32 @!p0 $0x1;
	_ =	shalt  }
.LBB2_2:
.Ltmp3:
0x123: {  	(pc) =	sbr.rel .LBB2_5-.Ltmp3, $4  }
0x124: {  	_ = 	snop  }
0x125: {  	s25 =	rddreg [dreg:$0x4]  }
0x126: {  	s19 =	simm.s32 $0x80;
	s20 =	simm.s32 $0xC0;
	s21 =	simm.s32 $0x100  }
0x127: {  	s22 =	simm.s32 $0x140;
	s23 =	simm.s32 $0x180;
	s26 =	simm.s32 $0x1C0  }
.Lfunc_end2:
_tile_overlayer_lowered:
.L_overlay_start_2:
0x128: {  	(tag) =	ssettag $0x2  }
0x129: {  	s0 =	rddreg [dreg:$0x0];
	s2 =	stileid.u32  }
0x12a: {  	s1 =	rddreg [dreg:$0x1];
	p0 =	sne.s32 s2, $0x0  }
0x12b: {  	s3 =	rddreg [dreg:$0x2];
	[bflag:$0x3] =	sbarrier.arrive $0xFFFF;
	s2 =	simm.s32 @!p0 $0x1C03  }
0x12c: {  	[timem:s3], [sflag:s2] =	dma.local @!p0 [hbm:s0], s1  }
0x12d: {  	s0 =	simm.s32 @!p0 $0x3  }
0x12e: {  	_ =	swait.ge @!p0 [sflag:s0], s1  }
0x12f: {  	s1 =	ssub.s32 @!p0 $0x0, s1;
	[sflag:s0] =	ssyncset.done @!p0 $0x0  }
0x130: {  	[sflag:s0] =	ssyncadd.s32 @!p0 s1  }
0x131: {  	[bflag:$0x3] =	sbarrier.arrive $0xFFFF  }
0x132: {  	_ =	shalt  }

</sc_bundles>
